<compile_context>
chip_gen: v7x
topology: tpu7x:2x2x1
jax: 0.10.2.dev20260603
libtpu: 0.0.44.dev20260713+nightly
codegen_flags: <defaults>
</compile_context>

<pallas_src>
import functools

import jax
import jax.numpy as jnp
from jax import lax
from jax.experimental import pallas as pl
from jax.experimental.pallas import tpu as pltpu
from jax.experimental.pallas import tpu_sc as plsc

_N_IDX = 16384
_N_WORDS = 100000
_HIST_PAD = 100352
_D = 64
_LANES = 16
_NS = 16
_IPW = _N_IDX // _NS
_VPW = _IPW // _LANES
_NCHUNK = 8
_CHUNK = _IPW // _NCHUNK


def _histogram(words):
    mesh = plsc.VectorSubcoreMesh(
        core_axis_name="c", subcore_axis_name="s", num_cores=1
    )
    zchunk = _HIST_PAD // _NS

    @functools.partial(
        pl.kernel,
        out_type=jax.ShapeDtypeStruct((_HIST_PAD,), jnp.float32),
        mesh=mesh,
        scratch_types=[
            pltpu.VMEM((_IPW,), jnp.int32),
            pltpu.VMEM((_NCHUNK, _CHUNK), jnp.float32),
            pltpu.VMEM((_NCHUNK, _CHUNK), jnp.int32),
            pltpu.VMEM((zchunk,), jnp.float32),
            pltpu.VMEM_SHARED((_HIST_PAD,), jnp.float32),
            pltpu.SemaphoreType.DMA,
        ],
        compiler_params=pltpu.CompilerParams(needs_layout_passes=False),
    )
    def body(words_hbm, out_hbm, idx_v, vals_v, idxo_v, zero_v, hist_s, sem):
        cid = lax.axis_index("c")
        sid = lax.axis_index("s")

        @pl.when(cid == 0)
        def _():
            pltpu.sync_copy(words_hbm.at[pl.ds(sid * _IPW, _IPW)], idx_v)

            zero16 = jnp.zeros((_LANES,), jnp.float32)

            def zstep(i, carry):
                zero_v[pl.ds(i * _LANES, _LANES)] = zero16
                return carry

            lax.fori_loop(0, zchunk // _LANES, zstep, 0, unroll=4)
            pltpu.sync_copy(zero_v, hist_s.at[pl.ds(sid * zchunk, zchunk)])

            lanes = lax.iota(jnp.int32, _LANES)
            for c in range(_NCHUNK):

                def cstep(j, carry, c=c):
                    v = c * _CHUNK + j * _LANES
                    iv = idx_v[pl.ds(v, _LANES)]
                    cnt, last = plsc.scan_count(iv)
                    iout = jnp.where(last, iv, _N_WORDS + lanes)
                    vals_v[c, pl.ds(j * _LANES, _LANES)] = cnt.astype(
                        jnp.float32
                    )
                    idxo_v[c, pl.ds(j * _LANES, _LANES)] = iout
                    return carry

                lax.fori_loop(0, _CHUNK // _LANES, cstep, 0, unroll=2)

            plsc.subcore_barrier()
            copies = [
                pltpu.async_copy(
                    vals_v.at[c], hist_s.at[idxo_v.at[c]], sem, add=True
                )
                for c in range(_NCHUNK)
            ]
            for cp in copies:
                cp.wait()
            plsc.subcore_barrier()

            @pl.when(sid == 0)
            def _export():
                pltpu.sync_copy(hist_s, out_hbm)

    return body(words)


def _sweep(hist, table_t, bias2):
    def body(h_ref, e_ref, b_ref, o_ref):
        k = pl.program_id(0)
        h = h_ref[pl.ds(0, _N_WORDS)].reshape(1, _N_WORDS)
        r = jax.lax.dot_general(
            h, e_ref[...], (((1,), (1,)), ((), ())),
            preferred_element_type=jnp.float32,
        )
        r8 = jnp.concatenate([r] * (_D // 32), axis=1) + b_ref[...]
        col = jax.lax.broadcasted_iota(jnp.int32, (1, _D), 1) >> 5
        o_ref[...] = jnp.where(col == k, r8, o_ref[...])

    return pl.pallas_call(
        body,
        grid=(_D // 32,),
        in_specs=[
            pl.BlockSpec((_HIST_PAD,), lambda k: (0,)),
            pl.BlockSpec((32, _N_WORDS), lambda k: (k, 0)),
            pl.BlockSpec((1, _D), lambda k: (0, 0)),
        ],
        out_specs=pl.BlockSpec((1, _D), lambda k: (0, 0)),
        out_shape=jax.ShapeDtypeStruct((1, _D), jnp.float32),
    )(hist, table_t, bias2)


def kernel(words, embedding, bias):
    hist = _histogram(words.astype(jnp.int32))
    return _sweep(hist, embedding.T, bias.reshape(1, _D))

# --- scband reference (transcript-rebuilt; emitter-appended) ---
"""Pipeline reference for scband-bo-w-19696720019923 (READ-ONLY COPY).

The authoritative reference and input builder live on the scoring server;
editing this copy changes nothing except your own understanding.
"""

import jax, jax.numpy as jnp
import numpy as np

N_WORDS = 100000
N_TAGS = 64
N_IDX = 16384

def setup_inputs(seed: int = 0) -> dict:
    key = jax.random.key(seed)
    k1, k2 = jax.random.split(key)
    words = jax.random.randint(k1, (N_IDX,), 0, N_WORDS, dtype=jnp.int64 if jax.config.jax_enable_x64 else jnp.int32)
    # xavier_uniform init for embedding weight [n_words, n_tags]
    limit = float(np.sqrt(6.0 / (N_WORDS + N_TAGS)))
    embedding = jax.random.uniform(k2, (N_WORDS, N_TAGS), minval=-limit, maxval=limit, dtype=jnp.float32)
    bias = jnp.zeros((N_TAGS,), dtype=jnp.float32)
    return {"words": words, "embedding": embedding, "bias": bias}

def reference(words, embedding, bias):
    # emb_out = self.embedding(words)  -> gather rows
    emb_out = jnp.take(embedding, words, axis=0)
    # out = torch.sum(emb_out, dim=0) + self.bias
    out = jnp.sum(emb_out, axis=0) + bias
    # out = out.view(1, -1)
    out = out.reshape(1, -1)
    return out

if __name__ == "__main__":
    import jax
    _d = setup_inputs()
    print(jax.jit(kernel)(*tuple(_d.values())))

</pallas_src>

<mosaic_0001>
#map = affine_map<(d0, d1) -> (0)>
module attributes {stable_mosaic.version = 14 : i64} {
  func.func @body(%arg0: i32, %arg1: i32, %arg2: memref<16384xi32, #tpu.memory_space<hbm>>, %arg3: memref<100352xf32, #tpu.memory_space<hbm>>, %arg4: memref<1024xi32, #tpu.memory_space<vmem>>, %arg5: memref<8x128xf32, #tpu.memory_space<vmem>>, %arg6: memref<8x128xi32, #tpu.memory_space<vmem>>, %arg7: memref<6272xf32, #tpu.memory_space<vmem>>, %arg8: memref<100352xf32, #tpu.memory_space<vmem_shared>>, %arg9: memref<!tpu.dma_semaphore, #tpu.memory_space<semaphore_mem>>) attributes {dimension_semantics = [#tpu.dimension_semantics<core_parallel>, #tpu.dimension_semantics<subcore_parallel>], iteration_bounds = array<i64: 1, 16>, scalar_prefetch = 0 : i64, scratch_operands = 6 : i64, tpu.core_type = #tpu.core_type<sc_vector_subcore>, window_params = [{transform_indices = #map}, {transform_indices = #map}]} {
    %eq3A = arith.constant 0 : i32
    %eq3A_0 = arith.cmpi eq, %arg0, %eq3A : i32
    %convert_element_type3A = arith.extui %eq3A_0 : i1 to i32
    %cond3A = arith.constant 0 : i32
    %cond3A_1 = arith.cmpi ne, %convert_element_type3A, %cond3A : i32
    scf.if %cond3A_1 {
      %mul3A = arith.constant 1024 : i32
      %mul3A_2 = arith.muli %arg1, %mul3A : i32
      "tpu.region"() ({
        %run_scoped3A = tpu.sem_alloc : memref<!tpu.dma_semaphore, #tpu.memory_space<semaphore_mem>>
        %dma_start3A_223 = tpu.memref_slice %arg2[%mul3A_2] : memref<16384xi32, #tpu.memory_space<hbm>> -> memref<1024xi32, #tpu.memory_space<hbm>>
        %dma_start3A_224 = tpu.memref_slice %arg2[%mul3A_2] : memref<16384xi32, #tpu.memory_space<hbm>> -> memref<1024xi32, #tpu.memory_space<hbm>>
        tpu.enqueue_dma source(%dma_start3A_224 : memref<1024xi32, #tpu.memory_space<hbm>>) target(%arg4 : memref<1024xi32, #tpu.memory_space<vmem>>) target_semaphore(%run_scoped3A : memref<!tpu.dma_semaphore, #tpu.memory_space<semaphore_mem>>)
        %dma_wait3A_225 = tpu.memref_slice %arg2[%mul3A_2] : memref<16384xi32, #tpu.memory_space<hbm>> -> memref<1024xi32, #tpu.memory_space<hbm>>
        %dma_wait3A_226 = tpu.memref_slice %arg2[%mul3A_2] : memref<16384xi32, #tpu.memory_space<hbm>> -> memref<1024xi32, #tpu.memory_space<hbm>>
        tpu.wait_dma2 semaphore(%run_scoped3A : memref<!tpu.dma_semaphore, #tpu.memory_space<semaphore_mem>>) src(%dma_wait3A_226 : memref<1024xi32, #tpu.memory_space<hbm>>) dst(%arg4 : memref<1024xi32, #tpu.memory_space<vmem>>)
        tpu.yield
      }) : () -> ()
      %broadcast_in_dim3A = arith.constant 0.000000e+00 : f32
      %broadcast_in_dim3A_3 = vector.broadcast %broadcast_in_dim3A : f32 to vector<16xf32>
      %scan3A = arith.constant 0 : i32
      %scan3A_4 = arith.constant 0 : i32
      %scan3A_5 = arith.constant 392 : i32
      %scan3A_6 = arith.addi %scan3A_4, %scan3A_5 : i32
      %scan3A_7 = arith.constant 4 : i32
      scf.for %scan3A_223 = %scan3A_4 to %scan3A_6 step %scan3A_7  : i32 {
        %mul3A_224 = arith.constant 16 : i32
        %mul3A_225 = arith.muli %scan3A_223, %mul3A_224 : i32
        %swap3A = arith.index_cast %mul3A_225 : i32 to index
        %swap3A_226 = tpu.vector_load %arg7[%swap3A] {strides = array<i32>} : memref<6272xf32, #tpu.memory_space<vmem>>, vector<16xf32>,
        tpu.vector_store %arg7[%swap3A], %broadcast_in_dim3A_3 {strides = array<i32>} : memref<6272xf32, #tpu.memory_space<vmem>>, vector<16xf32>,
        %scan3A_227 = arith.constant 1 : i32
        %scan3A_228 = arith.addi %scan3A_223, %scan3A_227 : i32
        %mul3A_229 = arith.constant 16 : i32
        %mul3A_230 = arith.muli %scan3A_228, %mul3A_229 : i32
        %swap3A_231 = arith.index_cast %mul3A_230 : i32 to index
        %swap3A_232 = tpu.vector_load %arg7[%swap3A_231] {strides = array<i32>} : memref<6272xf32, #tpu.memory_space<vmem>>, vector<16xf32>,
        tpu.vector_store %arg7[%swap3A_231], %broadcast_in_dim3A_3 {strides = array<i32>} : memref<6272xf32, #tpu.memory_space<vmem>>, vector<16xf32>,
        %scan3A_233 = arith.constant 2 : i32
        %scan3A_234 = arith.addi %scan3A_223, %scan3A_233 : i32
        %mul3A_235 = arith.constant 16 : i32
        %mul3A_236 = arith.muli %scan3A_234, %mul3A_235 : i32
        %swap3A_237 = arith.index_cast %mul3A_236 : i32 to index
        %swap3A_238 = tpu.vector_load %arg7[%swap3A_237] {strides = array<i32>} : memref<6272xf32, #tpu.memory_space<vmem>>, vector<16xf32>,
        tpu.vector_store %arg7[%swap3A_237], %broadcast_in_dim3A_3 {strides = array<i32>} : memref<6272xf32, #tpu.memory_space<vmem>>, vector<16xf32>,
        %scan3A_239 = arith.constant 3 : i32
        %scan3A_240 = arith.addi %scan3A_223, %scan3A_239 : i32
        %mul3A_241 = arith.constant 16 : i32
        %mul3A_242 = arith.muli %scan3A_240, %mul3A_241 : i32
        %swap3A_243 = arith.index_cast %mul3A_242 : i32 to index
        %swap3A_244 = tpu.vector_load %arg7[%swap3A_243] {strides = array<i32>} : memref<6272xf32, #tpu.memory_space<vmem>>, vector<16xf32>,
        tpu.vector_store %arg7[%swap3A_243], %broadcast_in_dim3A_3 {strides = array<i32>} : memref<6272xf32, #tpu.memory_space<vmem>>, vector<16xf32>,
      }
      %scan3A_8 = arith.constant 392 : i32
      %mul3A_9 = arith.constant 6272 : i32
      %mul3A_10 = arith.muli %arg1, %mul3A_9 : i32
      "tpu.region"() ({
        %run_scoped3A = tpu.sem_alloc : memref<!tpu.dma_semaphore, #tpu.memory_space<semaphore_mem>>
        %dma_start3A_223 = tpu.memref_slice %arg8[%mul3A_10] : memref<100352xf32, #tpu.memory_space<vmem_shared>> -> memref<6272xf32, #tpu.memory_space<vmem_shared>>
        %dma_start3A_224 = tpu.memref_slice %arg8[%mul3A_10] : memref<100352xf32, #tpu.memory_space<vmem_shared>> -> memref<6272xf32, #tpu.memory_space<vmem_shared>>
        tpu.enqueue_dma source(%arg7 : memref<6272xf32, #tpu.memory_space<vmem>>) target(%dma_start3A_224 : memref<6272xf32, #tpu.memory_space<vmem_shared>>) target_semaphore(%run_scoped3A : memref<!tpu.dma_semaphore, #tpu.memory_space<semaphore_mem>>)
        %dma_wait3A_225 = tpu.memref_slice %arg8[%mul3A_10] : memref<100352xf32, #tpu.memory_space<vmem_shared>> -> memref<6272xf32, #tpu.memory_space<vmem_shared>>
        %dma_wait3A_226 = tpu.memref_slice %arg8[%mul3A_10] : memref<100352xf32, #tpu.memory_space<vmem_shared>> -> memref<6272xf32, #tpu.memory_space<vmem_shared>>
        tpu.wait_dma2 semaphore(%run_scoped3A : memref<!tpu.dma_semaphore, #tpu.memory_space<semaphore_mem>>) src(%arg7 : memref<6272xf32, #tpu.memory_space<vmem>>) dst(%dma_wait3A_226 : memref<6272xf32, #tpu.memory_space<vmem_shared>>)
        tpu.yield
      }) : () -> ()
      %iota3A = tpu.iota {dimensions = array<i32: 0>} : vector<16xi32>
      %scan3A_11 = arith.constant 0 : i32
      %scan3A_12 = arith.constant 0 : i32
      %scan3A_13 = arith.constant 8 : i32
      %scan3A_14 = arith.addi %scan3A_12, %scan3A_13 : i32
      %scan3A_15 = arith.constant 2 : i32
      scf.for %scan3A_223 = %scan3A_12 to %scan3A_14 step %scan3A_15  : i32 {
        %mul3A_224 = arith.constant 16 : i32
        %mul3A_225 = arith.muli %scan3A_223, %mul3A_224 : i32
        %add3A = arith.constant 0 : i32
        %add3A_226 = arith.addi %add3A, %mul3A_225 : i32
        %get3A = arith.index_cast %add3A_226 : i32 to index
        %get3A_227 = tpu.vector_load %arg4[%get3A] {strides = array<i32>} : memref<1024xi32, #tpu.memory_space<vmem>>, vector<16xi32>,
        %broadcast_in_dim3A_228 = arith.constant true
        %broadcast_in_dim3A_229 = vector.broadcast %broadcast_in_dim3A_228 : i1 to vector<16xi1>
        %unique3A, %unique3A_230 = tpu.scan_count mask(%broadcast_in_dim3A_229 : vector<16xi1>) value(%get3A_227 : vector<16xi32>) : vector<16xi1>, vector<16xi32>
        %add3A_231 = arith.constant 100000 : i32
        %add3A_232 = vector.broadcast %add3A_231 : i32 to vector<16xi32>
        %add3A_233 = arith.addi %add3A_232, %iota3A : vector<16xi32>
        %select_n3A = arith.select %unique3A, %get3A_227, %add3A_233 : vector<16xi1>, vector<16xi32>
        %convert_element_type3A_234 = arith.sitofp %unique3A_230 : vector<16xi32> to vector<16xf32>
        %mul3A_235 = arith.constant 16 : i32
        %mul3A_236 = arith.muli %scan3A_223, %mul3A_235 : i32
        %swap3A = arith.constant 0 : i32
        %swap3A_237 = arith.index_cast %swap3A : i32 to index
        %swap3A_238 = arith.index_cast %mul3A_236 : i32 to index
        %swap3A_239 = tpu.vector_load %arg5[%swap3A_237, %swap3A_238] {strides = array<i32>} : memref<8x128xf32, #tpu.memory_space<vmem>>, vector<16xf32>,
        tpu.vector_store %arg5[%swap3A_237, %swap3A_238], %convert_element_type3A_234 {strides = array<i32>} : memref<8x128xf32, #tpu.memory_space<vmem>>, vector<16xf32>,
        %mul3A_240 = arith.constant 16 : i32
        %mul3A_241 = arith.muli %scan3A_223, %mul3A_240 : i32
        %swap3A_242 = arith.constant 0 : i32
        %swap3A_243 = arith.index_cast %swap3A_242 : i32 to index
        %swap3A_244 = arith.index_cast %mul3A_241 : i32 to index
        %swap3A_245 = tpu.vector_load %arg6[%swap3A_243, %swap3A_244] {strides = array<i32>} : memref<8x128xi32, #tpu.memory_space<vmem>>, vector<16xi32>,
        tpu.vector_store %arg6[%swap3A_243, %swap3A_244], %select_n3A {strides = array<i32>} : memref<8x128xi32, #tpu.memory_space<vmem>>, vector<16xi32>,
        %scan3A_246 = arith.constant 1 : i32
        %scan3A_247 = arith.addi %scan3A_223, %scan3A_246 : i32
        %mul3A_248 = arith.constant 16 : i32
        %mul3A_249 = arith.muli %scan3A_247, %mul3A_248 : i32
        %add3A_250 = arith.constant 0 : i32
        %add3A_251 = arith.addi %add3A_250, %mul3A_249 : i32
        %get3A_252 = arith.index_cast %add3A_251 : i32 to index
        %get3A_253 = tpu.vector_load %arg4[%get3A_252] {strides = array<i32>} : memref<1024xi32, #tpu.memory_space<vmem>>, vector<16xi32>,
        %broadcast_in_dim3A_254 = arith.constant true
        %broadcast_in_dim3A_255 = vector.broadcast %broadcast_in_dim3A_254 : i1 to vector<16xi1>
        %unique3A_256, %unique3A_257 = tpu.scan_count mask(%broadcast_in_dim3A_255 : vector<16xi1>) value(%get3A_253 : vector<16xi32>) : vector<16xi1>, vector<16xi32>
        %add3A_258 = arith.constant 100000 : i32
        %add3A_259 = vector.broadcast %add3A_258 : i32 to vector<16xi32>
        %add3A_260 = arith.addi %add3A_259, %iota3A : vector<16xi32>
        %select_n3A_261 = arith.select %unique3A_256, %get3A_253, %add3A_260 : vector<16xi1>, vector<16xi32>
        %convert_element_type3A_262 = arith.sitofp %unique3A_257 : vector<16xi32> to vector<16xf32>
        %mul3A_263 = arith.constant 16 : i32
        %mul3A_264 = arith.muli %scan3A_247, %mul3A_263 : i32
        %swap3A_265 = arith.constant 0 : i32
        %swap3A_266 = arith.index_cast %swap3A_265 : i32 to index
        %swap3A_267 = arith.index_cast %mul3A_264 : i32 to index
        %swap3A_268 = tpu.vector_load %arg5[%swap3A_266, %swap3A_267] {strides = array<i32>} : memref<8x128xf32, #tpu.memory_space<vmem>>, vector<16xf32>,
        tpu.vector_store %arg5[%swap3A_266, %swap3A_267], %convert_element_type3A_262 {strides = array<i32>} : memref<8x128xf32, #tpu.memory_space<vmem>>, vector<16xf32>,
        %mul3A_269 = arith.constant 16 : i32
        %mul3A_270 = arith.muli %scan3A_247, %mul3A_269 : i32
        %swap3A_271 = arith.constant 0 : i32
        %swap3A_272 = arith.index_cast %swap3A_271 : i32 to index
        %swap3A_273 = arith.index_cast %mul3A_270 : i32 to index
        %swap3A_274 = tpu.vector_load %arg6[%swap3A_272, %swap3A_273] {strides = array<i32>} : memref<8x128xi32, #tpu.memory_space<vmem>>, vector<16xi32>,
        tpu.vector_store %arg6[%swap3A_272, %swap3A_273], %select_n3A_261 {strides = array<i32>} : memref<8x128xi32, #tpu.memory_space<vmem>>, vector<16xi32>,
      }
      %scan3A_16 = arith.constant 8 : i32
      %scan3A_17 = arith.constant 0 : i32
      %scan3A_18 = arith.constant 0 : i32
      %scan3A_19 = arith.constant 8 : i32
      %scan3A_20 = arith.addi %scan3A_18, %scan3A_19 : i32
      %scan3A_21 = arith.constant 2 : i32
      scf.for %scan3A_223 = %scan3A_18 to %scan3A_20 step %scan3A_21  : i32 {
        %mul3A_224 = arith.constant 16 : i32
        %mul3A_225 = arith.muli %scan3A_223, %mul3A_224 : i32
        %add3A = arith.constant 128 : i32
        %add3A_226 = arith.addi %add3A, %mul3A_225 : i32
        %get3A = arith.index_cast %add3A_226 : i32 to index
        %get3A_227 = tpu.vector_load %arg4[%get3A] {strides = array<i32>} : memref<1024xi32, #tpu.memory_space<vmem>>, vector<16xi32>,
        %broadcast_in_dim3A_228 = arith.constant true
        %broadcast_in_dim3A_229 = vector.broadcast %broadcast_in_dim3A_228 : i1 to vector<16xi1>
        %unique3A, %unique3A_230 = tpu.scan_count mask(%broadcast_in_dim3A_229 : vector<16xi1>) value(%get3A_227 : vector<16xi32>) : vector<16xi1>, vector<16xi32>
        %add3A_231 = arith.constant 100000 : i32
        %add3A_232 = vector.broadcast %add3A_231 : i32 to vector<16xi32>
        %add3A_233 = arith.addi %add3A_232, %iota3A : vector<16xi32>
        %select_n3A = arith.select %unique3A, %get3A_227, %add3A_233 : vector<16xi1>, vector<16xi32>
        %convert_element_type3A_234 = arith.sitofp %unique3A_230 : vector<16xi32> to vector<16xf32>
        %mul3A_235 = arith.constant 16 : i32
        %mul3A_236 = arith.muli %scan3A_223, %mul3A_235 : i32
        %swap3A = arith.constant 1 : i32
        %swap3A_237 = arith.index_cast %swap3A : i32 to index
        %swap3A_238 = arith.index_cast %mul3A_236 : i32 to index
        %swap3A_239 = tpu.vector_load %arg5[%swap3A_237, %swap3A_238] {strides = array<i32>} : memref<8x128xf32, #tpu.memory_space<vmem>>, vector<16xf32>,
        tpu.vector_store %arg5[%swap3A_237, %swap3A_238], %convert_element_type3A_234 {strides = array<i32>} : memref<8x128xf32, #tpu.memory_space<vmem>>, vector<16xf32>,
        %mul3A_240 = arith.constant 16 : i32
        %mul3A_241 = arith.muli %scan3A_223, %mul3A_240 : i32
        %swap3A_242 = arith.constant 1 : i32
        %swap3A_243 = arith.index_cast %swap3A_242 : i32 to index
        %swap3A_244 = arith.index_cast %mul3A_241 : i32 to index
        %swap3A_245 = tpu.vector_load %arg6[%swap3A_243, %swap3A_244] {strides = array<i32>} : memref<8x128xi32, #tpu.memory_space<vmem>>, vector<16xi32>,
        tpu.vector_store %arg6[%swap3A_243, %swap3A_244], %select_n3A {strides = array<i32>} : memref<8x128xi32, #tpu.memory_space<vmem>>, vector<16xi32>,
        %scan3A_246 = arith.constant 1 : i32
        %scan3A_247 = arith.addi %scan3A_223, %scan3A_246 : i32
        %mul3A_248 = arith.constant 16 : i32
        %mul3A_249 = arith.muli %scan3A_247, %mul3A_248 : i32
        %add3A_250 = arith.constant 128 : i32
        %add3A_251 = arith.addi %add3A_250, %mul3A_249 : i32
        %get3A_252 = arith.index_cast %add3A_251 : i32 to index
        %get3A_253 = tpu.vector_load %arg4[%get3A_252] {strides = array<i32>} : memref<1024xi32, #tpu.memory_space<vmem>>, vector<16xi32>,
        %broadcast_in_dim3A_254 = arith.constant true
        %broadcast_in_dim3A_255 = vector.broadcast %broadcast_in_dim3A_254 : i1 to vector<16xi1>
        %unique3A_256, %unique3A_257 = tpu.scan_count mask(%broadcast_in_dim3A_255 : vector<16xi1>) value(%get3A_253 : vector<16xi32>) : vector<16xi1>, vector<16xi32>
        %add3A_258 = arith.constant 100000 : i32
        %add3A_259 = vector.broadcast %add3A_258 : i32 to vector<16xi32>
        %add3A_260 = arith.addi %add3A_259, %iota3A : vector<16xi32>
        %select_n3A_261 = arith.select %unique3A_256, %get3A_253, %add3A_260 : vector<16xi1>, vector<16xi32>
        %convert_element_type3A_262 = arith.sitofp %unique3A_257 : vector<16xi32> to vector<16xf32>
        %mul3A_263 = arith.constant 16 : i32
        %mul3A_264 = arith.muli %scan3A_247, %mul3A_263 : i32
        %swap3A_265 = arith.constant 1 : i32
        %swap3A_266 = arith.index_cast %swap3A_265 : i32 to index
        %swap3A_267 = arith.index_cast %mul3A_264 : i32 to index
        %swap3A_268 = tpu.vector_load %arg5[%swap3A_266, %swap3A_267] {strides = array<i32>} : memref<8x128xf32, #tpu.memory_space<vmem>>, vector<16xf32>,
        tpu.vector_store %arg5[%swap3A_266, %swap3A_267], %convert_element_type3A_262 {strides = array<i32>} : memref<8x128xf32, #tpu.memory_space<vmem>>, vector<16xf32>,
        %mul3A_269 = arith.constant 16 : i32
        %mul3A_270 = arith.muli %scan3A_247, %mul3A_269 : i32
        %swap3A_271 = arith.constant 1 : i32
        %swap3A_272 = arith.index_cast %swap3A_271 : i32 to index
        %swap3A_273 = arith.index_cast %mul3A_270 : i32 to index
        %swap3A_274 = tpu.vector_load %arg6[%swap3A_272, %swap3A_273] {strides = array<i32>} : memref<8x128xi32, #tpu.memory_space<vmem>>, vector<16xi32>,
        tpu.vector_store %arg6[%swap3A_272, %swap3A_273], %select_n3A_261 {strides = array<i32>} : memref<8x128xi32, #tpu.memory_space<vmem>>, vector<16xi32>,
      }
      %scan3A_22 = arith.constant 8 : i32
      %scan3A_23 = arith.constant 0 : i32
      %scan3A_24 = arith.constant 0 : i32
      %scan3A_25 = arith.constant 8 : i32
      %scan3A_26 = arith.addi %scan3A_24, %scan3A_25 : i32
      %scan3A_27 = arith.constant 2 : i32
      scf.for %scan3A_223 = %scan3A_24 to %scan3A_26 step %scan3A_27  : i32 {
        %mul3A_224 = arith.constant 16 : i32
        %mul3A_225 = arith.muli %scan3A_223, %mul3A_224 : i32
        %add3A = arith.constant 256 : i32
        %add3A_226 = arith.addi %add3A, %mul3A_225 : i32
        %get3A = arith.index_cast %add3A_226 : i32 to index
        %get3A_227 = tpu.vector_load %arg4[%get3A] {strides = array<i32>} : memref<1024xi32, #tpu.memory_space<vmem>>, vector<16xi32>,
        %broadcast_in_dim3A_228 = arith.constant true
        %broadcast_in_dim3A_229 = vector.broadcast %broadcast_in_dim3A_228 : i1 to vector<16xi1>
        %unique3A, %unique3A_230 = tpu.scan_count mask(%broadcast_in_dim3A_229 : vector<16xi1>) value(%get3A_227 : vector<16xi32>) : vector<16xi1>, vector<16xi32>
        %add3A_231 = arith.constant 100000 : i32
        %add3A_232 = vector.broadcast %add3A_231 : i32 to vector<16xi32>
        %add3A_233 = arith.addi %add3A_232, %iota3A : vector<16xi32>
        %select_n3A = arith.select %unique3A, %get3A_227, %add3A_233 : vector<16xi1>, vector<16xi32>
        %convert_element_type3A_234 = arith.sitofp %unique3A_230 : vector<16xi32> to vector<16xf32>
        %mul3A_235 = arith.constant 16 : i32
        %mul3A_236 = arith.muli %scan3A_223, %mul3A_235 : i32
        %swap3A = arith.constant 2 : i32
        %swap3A_237 = arith.index_cast %swap3A : i32 to index
        %swap3A_238 = arith.index_cast %mul3A_236 : i32 to index
        %swap3A_239 = tpu.vector_load %arg5[%swap3A_237, %swap3A_238] {strides = array<i32>} : memref<8x128xf32, #tpu.memory_space<vmem>>, vector<16xf32>,
        tpu.vector_store %arg5[%swap3A_237, %swap3A_238], %convert_element_type3A_234 {strides = array<i32>} : memref<8x128xf32, #tpu.memory_space<vmem>>, vector<16xf32>,
        %mul3A_240 = arith.constant 16 : i32
        %mul3A_241 = arith.muli %scan3A_223, %mul3A_240 : i32
        %swap3A_242 = arith.constant 2 : i32
        %swap3A_243 = arith.index_cast %swap3A_242 : i32 to index
        %swap3A_244 = arith.index_cast %mul3A_241 : i32 to index
        %swap3A_245 = tpu.vector_load %arg6[%swap3A_243, %swap3A_244] {strides = array<i32>} : memref<8x128xi32, #tpu.memory_space<vmem>>, vector<16xi32>,
        tpu.vector_store %arg6[%swap3A_243, %swap3A_244], %select_n3A {strides = array<i32>} : memref<8x128xi32, #tpu.memory_space<vmem>>, vector<16xi32>,
        %scan3A_246 = arith.constant 1 : i32
        %scan3A_247 = arith.addi %scan3A_223, %scan3A_246 : i32
        %mul3A_248 = arith.constant 16 : i32
        %mul3A_249 = arith.muli %scan3A_247, %mul3A_248 : i32
        %add3A_250 = arith.constant 256 : i32
        %add3A_251 = arith.addi %add3A_250, %mul3A_249 : i32
        %get3A_252 = arith.index_cast %add3A_251 : i32 to index
        %get3A_253 = tpu.vector_load %arg4[%get3A_252] {strides = array<i32>} : memref<1024xi32, #tpu.memory_space<vmem>>, vector<16xi32>,
        %broadcast_in_dim3A_254 = arith.constant true
        %broadcast_in_dim3A_255 = vector.broadcast %broadcast_in_dim3A_254 : i1 to vector<16xi1>
        %unique3A_256, %unique3A_257 = tpu.scan_count mask(%broadcast_in_dim3A_255 : vector<16xi1>) value(%get3A_253 : vector<16xi32>) : vector<16xi1>, vector<16xi32>
        %add3A_258 = arith.constant 100000 : i32
        %add3A_259 = vector.broadcast %add3A_258 : i32 to vector<16xi32>
        %add3A_260 = arith.addi %add3A_259, %iota3A : vector<16xi32>
        %select_n3A_261 = arith.select %unique3A_256, %get3A_253, %add3A_260 : vector<16xi1>, vector<16xi32>
        %convert_element_type3A_262 = arith.sitofp %unique3A_257 : vector<16xi32> to vector<16xf32>
        %mul3A_263 = arith.constant 16 : i32
        %mul3A_264 = arith.muli %scan3A_247, %mul3A_263 : i32
        %swap3A_265 = arith.constant 2 : i32
        %swap3A_266 = arith.index_cast %swap3A_265 : i32 to index
        %swap3A_267 = arith.index_cast %mul3A_264 : i32 to index
        %swap3A_268 = tpu.vector_load %arg5[%swap3A_266, %swap3A_267] {strides = array<i32>} : memref<8x128xf32, #tpu.memory_space<vmem>>, vector<16xf32>,
        tpu.vector_store %arg5[%swap3A_266, %swap3A_267], %convert_element_type3A_262 {strides = array<i32>} : memref<8x128xf32, #tpu.memory_space<vmem>>, vector<16xf32>,
        %mul3A_269 = arith.constant 16 : i32
        %mul3A_270 = arith.muli %scan3A_247, %mul3A_269 : i32
        %swap3A_271 = arith.constant 2 : i32
        %swap3A_272 = arith.index_cast %swap3A_271 : i32 to index
        %swap3A_273 = arith.index_cast %mul3A_270 : i32 to index
        %swap3A_274 = tpu.vector_load %arg6[%swap3A_272, %swap3A_273] {strides = array<i32>} : memref<8x128xi32, #tpu.memory_space<vmem>>, vector<16xi32>,
        tpu.vector_store %arg6[%swap3A_272, %swap3A_273], %select_n3A_261 {strides = array<i32>} : memref<8x128xi32, #tpu.memory_space<vmem>>, vector<16xi32>,
      }
      %scan3A_28 = arith.constant 8 : i32
      %scan3A_29 = arith.constant 0 : i32
      %scan3A_30 = arith.constant 0 : i32
      %scan3A_31 = arith.constant 8 : i32
      %scan3A_32 = arith.addi %scan3A_30, %scan3A_31 : i32
      %scan3A_33 = arith.constant 2 : i32
      scf.for %scan3A_223 = %scan3A_30 to %scan3A_32 step %scan3A_33  : i32 {
        %mul3A_224 = arith.constant 16 : i32
        %mul3A_225 = arith.muli %scan3A_223, %mul3A_224 : i32
        %add3A = arith.constant 384 : i32
        %add3A_226 = arith.addi %add3A, %mul3A_225 : i32
        %get3A = arith.index_cast %add3A_226 : i32 to index
        %get3A_227 = tpu.vector_load %arg4[%get3A] {strides = array<i32>} : memref<1024xi32, #tpu.memory_space<vmem>>, vector<16xi32>,
        %broadcast_in_dim3A_228 = arith.constant true
        %broadcast_in_dim3A_229 = vector.broadcast %broadcast_in_dim3A_228 : i1 to vector<16xi1>
        %unique3A, %unique3A_230 = tpu.scan_count mask(%broadcast_in_dim3A_229 : vector<16xi1>) value(%get3A_227 : vector<16xi32>) : vector<16xi1>, vector<16xi32>
        %add3A_231 = arith.constant 100000 : i32
        %add3A_232 = vector.broadcast %add3A_231 : i32 to vector<16xi32>
        %add3A_233 = arith.addi %add3A_232, %iota3A : vector<16xi32>
        %select_n3A = arith.select %unique3A, %get3A_227, %add3A_233 : vector<16xi1>, vector<16xi32>
        %convert_element_type3A_234 = arith.sitofp %unique3A_230 : vector<16xi32> to vector<16xf32>
        %mul3A_235 = arith.constant 16 : i32
        %mul3A_236 = arith.muli %scan3A_223, %mul3A_235 : i32
        %swap3A = arith.constant 3 : i32
        %swap3A_237 = arith.index_cast %swap3A : i32 to index
        %swap3A_238 = arith.index_cast %mul3A_236 : i32 to index
        %swap3A_239 = tpu.vector_load %arg5[%swap3A_237, %swap3A_238] {strides = array<i32>} : memref<8x128xf32, #tpu.memory_space<vmem>>, vector<16xf32>,
        tpu.vector_store %arg5[%swap3A_237, %swap3A_238], %convert_element_type3A_234 {strides = array<i32>} : memref<8x128xf32, #tpu.memory_space<vmem>>, vector<16xf32>,
        %mul3A_240 = arith.constant 16 : i32
        %mul3A_241 = arith.muli %scan3A_223, %mul3A_240 : i32
        %swap3A_242 = arith.constant 3 : i32
        %swap3A_243 = arith.index_cast %swap3A_242 : i32 to index
        %swap3A_244 = arith.index_cast %mul3A_241 : i32 to index
        %swap3A_245 = tpu.vector_load %arg6[%swap3A_243, %swap3A_244] {strides = array<i32>} : memref<8x128xi32, #tpu.memory_space<vmem>>, vector<16xi32>,
        tpu.vector_store %arg6[%swap3A_243, %swap3A_244], %select_n3A {strides = array<i32>} : memref<8x128xi32, #tpu.memory_space<vmem>>, vector<16xi32>,
        %scan3A_246 = arith.constant 1 : i32
        %scan3A_247 = arith.addi %scan3A_223, %scan3A_246 : i32
        %mul3A_248 = arith.constant 16 : i32
        %mul3A_249 = arith.muli %scan3A_247, %mul3A_248 : i32
        %add3A_250 = arith.constant 384 : i32
        %add3A_251 = arith.addi %add3A_250, %mul3A_249 : i32
        %get3A_252 = arith.index_cast %add3A_251 : i32 to index
        %get3A_253 = tpu.vector_load %arg4[%get3A_252] {strides = array<i32>} : memref<1024xi32, #tpu.memory_space<vmem>>, vector<16xi32>,
        %broadcast_in_dim3A_254 = arith.constant true
        %broadcast_in_dim3A_255 = vector.broadcast %broadcast_in_dim3A_254 : i1 to vector<16xi1>
        %unique3A_256, %unique3A_257 = tpu.scan_count mask(%broadcast_in_dim3A_255 : vector<16xi1>) value(%get3A_253 : vector<16xi32>) : vector<16xi1>, vector<16xi32>
        %add3A_258 = arith.constant 100000 : i32
        %add3A_259 = vector.broadcast %add3A_258 : i32 to vector<16xi32>
        %add3A_260 = arith.addi %add3A_259, %iota3A : vector<16xi32>
        %select_n3A_261 = arith.select %unique3A_256, %get3A_253, %add3A_260 : vector<16xi1>, vector<16xi32>
        %convert_element_type3A_262 = arith.sitofp %unique3A_257 : vector<16xi32> to vector<16xf32>
        %mul3A_263 = arith.constant 16 : i32
        %mul3A_264 = arith.muli %scan3A_247, %mul3A_263 : i32
        %swap3A_265 = arith.constant 3 : i32
        %swap3A_266 = arith.index_cast %swap3A_265 : i32 to index
        %swap3A_267 = arith.index_cast %mul3A_264 : i32 to index
        %swap3A_268 = tpu.vector_load %arg5[%swap3A_266, %swap3A_267] {strides = array<i32>} : memref<8x128xf32, #tpu.memory_space<vmem>>, vector<16xf32>,
        tpu.vector_store %arg5[%swap3A_266, %swap3A_267], %convert_element_type3A_262 {strides = array<i32>} : memref<8x128xf32, #tpu.memory_space<vmem>>, vector<16xf32>,
        %mul3A_269 = arith.constant 16 : i32
        %mul3A_270 = arith.muli %scan3A_247, %mul3A_269 : i32
        %swap3A_271 = arith.constant 3 : i32
        %swap3A_272 = arith.index_cast %swap3A_271 : i32 to index
        %swap3A_273 = arith.index_cast %mul3A_270 : i32 to index
        %swap3A_274 = tpu.vector_load %arg6[%swap3A_272, %swap3A_273] {strides = array<i32>} : memref<8x128xi32, #tpu.memory_space<vmem>>, vector<16xi32>,
        tpu.vector_store %arg6[%swap3A_272, %swap3A_273], %select_n3A_261 {strides = array<i32>} : memref<8x128xi32, #tpu.memory_space<vmem>>, vector<16xi32>,
      }
      %scan3A_34 = arith.constant 8 : i32
      %scan3A_35 = arith.constant 0 : i32
      %scan3A_36 = arith.constant 0 : i32
      %scan3A_37 = arith.constant 8 : i32
      %scan3A_38 = arith.addi %scan3A_36, %scan3A_37 : i32
      %scan3A_39 = arith.constant 2 : i32
      scf.for %scan3A_223 = %scan3A_36 to %scan3A_38 step %scan3A_39  : i32 {
        %mul3A_224 = arith.constant 16 : i32
        %mul3A_225 = arith.muli %scan3A_223, %mul3A_224 : i32
        %add3A = arith.constant 512 : i32
        %add3A_226 = arith.addi %add3A, %mul3A_225 : i32
        %get3A = arith.index_cast %add3A_226 : i32 to index
        %get3A_227 = tpu.vector_load %arg4[%get3A] {strides = array<i32>} : memref<1024xi32, #tpu.memory_space<vmem>>, vector<16xi32>,
        %broadcast_in_dim3A_228 = arith.constant true
        %broadcast_in_dim3A_229 = vector.broadcast %broadcast_in_dim3A_228 : i1 to vector<16xi1>
        %unique3A, %unique3A_230 = tpu.scan_count mask(%broadcast_in_dim3A_229 : vector<16xi1>) value(%get3A_227 : vector<16xi32>) : vector<16xi1>, vector<16xi32>
        %add3A_231 = arith.constant 100000 : i32
        %add3A_232 = vector.broadcast %add3A_231 : i32 to vector<16xi32>
        %add3A_233 = arith.addi %add3A_232, %iota3A : vector<16xi32>
        %select_n3A = arith.select %unique3A, %get3A_227, %add3A_233 : vector<16xi1>, vector<16xi32>
        %convert_element_type3A_234 = arith.sitofp %unique3A_230 : vector<16xi32> to vector<16xf32>
        %mul3A_235 = arith.constant 16 : i32
        %mul3A_236 = arith.muli %scan3A_223, %mul3A_235 : i32
        %swap3A = arith.constant 4 : i32
        %swap3A_237 = arith.index_cast %swap3A : i32 to index
        %swap3A_238 = arith.index_cast %mul3A_236 : i32 to index
        %swap3A_239 = tpu.vector_load %arg5[%swap3A_237, %swap3A_238] {strides = array<i32>} : memref<8x128xf32, #tpu.memory_space<vmem>>, vector<16xf32>,
        tpu.vector_store %arg5[%swap3A_237, %swap3A_238], %convert_element_type3A_234 {strides = array<i32>} : memref<8x128xf32, #tpu.memory_space<vmem>>, vector<16xf32>,
        %mul3A_240 = arith.constant 16 : i32
        %mul3A_241 = arith.muli %scan3A_223, %mul3A_240 : i32
        %swap3A_242 = arith.constant 4 : i32
        %swap3A_243 = arith.index_cast %swap3A_242 : i32 to index
        %swap3A_244 = arith.index_cast %mul3A_241 : i32 to index
        %swap3A_245 = tpu.vector_load %arg6[%swap3A_243, %swap3A_244] {strides = array<i32>} : memref<8x128xi32, #tpu.memory_space<vmem>>, vector<16xi32>,
        tpu.vector_store %arg6[%swap3A_243, %swap3A_244], %select_n3A {strides = array<i32>} : memref<8x128xi32, #tpu.memory_space<vmem>>, vector<16xi32>,
        %scan3A_246 = arith.constant 1 : i32
        %scan3A_247 = arith.addi %scan3A_223, %scan3A_246 : i32
        %mul3A_248 = arith.constant 16 : i32
        %mul3A_249 = arith.muli %scan3A_247, %mul3A_248 : i32
        %add3A_250 = arith.constant 512 : i32
        %add3A_251 = arith.addi %add3A_250, %mul3A_249 : i32
        %get3A_252 = arith.index_cast %add3A_251 : i32 to index
        %get3A_253 = tpu.vector_load %arg4[%get3A_252] {strides = array<i32>} : memref<1024xi32, #tpu.memory_space<vmem>>, vector<16xi32>,
        %broadcast_in_dim3A_254 = arith.constant true
        %broadcast_in_dim3A_255 = vector.broadcast %broadcast_in_dim3A_254 : i1 to vector<16xi1>
        %unique3A_256, %unique3A_257 = tpu.scan_count mask(%broadcast_in_dim3A_255 : vector<16xi1>) value(%get3A_253 : vector<16xi32>) : vector<16xi1>, vector<16xi32>
        %add3A_258 = arith.constant 100000 : i32
        %add3A_259 = vector.broadcast %add3A_258 : i32 to vector<16xi32>
        %add3A_260 = arith.addi %add3A_259, %iota3A : vector<16xi32>
        %select_n3A_261 = arith.select %unique3A_256, %get3A_253, %add3A_260 : vector<16xi1>, vector<16xi32>
        %convert_element_type3A_262 = arith.sitofp %unique3A_257 : vector<16xi32> to vector<16xf32>
        %mul3A_263 = arith.constant 16 : i32
        %mul3A_264 = arith.muli %scan3A_247, %mul3A_263 : i32
        %swap3A_265 = arith.constant 4 : i32
        %swap3A_266 = arith.index_cast %swap3A_265 : i32 to index
        %swap3A_267 = arith.index_cast %mul3A_264 : i32 to index
        %swap3A_268 = tpu.vector_load %arg5[%swap3A_266, %swap3A_267] {strides = array<i32>} : memref<8x128xf32, #tpu.memory_space<vmem>>, vector<16xf32>,
        tpu.vector_store %arg5[%swap3A_266, %swap3A_267], %convert_element_type3A_262 {strides = array<i32>} : memref<8x128xf32, #tpu.memory_space<vmem>>, vector<16xf32>,
        %mul3A_269 = arith.constant 16 : i32
        %mul3A_270 = arith.muli %scan3A_247, %mul3A_269 : i32
        %swap3A_271 = arith.constant 4 : i32
        %swap3A_272 = arith.index_cast %swap3A_271 : i32 to index
        %swap3A_273 = arith.index_cast %mul3A_270 : i32 to index
        %swap3A_274 = tpu.vector_load %arg6[%swap3A_272, %swap3A_273] {strides = array<i32>} : memref<8x128xi32, #tpu.memory_space<vmem>>, vector<16xi32>,
        tpu.vector_store %arg6[%swap3A_272, %swap3A_273], %select_n3A_261 {strides = array<i32>} : memref<8x128xi32, #tpu.memory_space<vmem>>, vector<16xi32>,
      }
      %scan3A_40 = arith.constant 8 : i32
      %scan3A_41 = arith.constant 0 : i32
      %scan3A_42 = arith.constant 0 : i32
      %scan3A_43 = arith.constant 8 : i32
      %scan3A_44 = arith.addi %scan3A_42, %scan3A_43 : i32
      %scan3A_45 = arith.constant 2 : i32
      scf.for %scan3A_223 = %scan3A_42 to %scan3A_44 step %scan3A_45  : i32 {
        %mul3A_224 = arith.constant 16 : i32
        %mul3A_225 = arith.muli %scan3A_223, %mul3A_224 : i32
        %add3A = arith.constant 640 : i32
        %add3A_226 = arith.addi %add3A, %mul3A_225 : i32
        %get3A = arith.index_cast %add3A_226 : i32 to index
        %get3A_227 = tpu.vector_load %arg4[%get3A] {strides = array<i32>} : memref<1024xi32, #tpu.memory_space<vmem>>, vector<16xi32>,
        %broadcast_in_dim3A_228 = arith.constant true
        %broadcast_in_dim3A_229 = vector.broadcast %broadcast_in_dim3A_228 : i1 to vector<16xi1>
        %unique3A, %unique3A_230 = tpu.scan_count mask(%broadcast_in_dim3A_229 : vector<16xi1>) value(%get3A_227 : vector<16xi32>) : vector<16xi1>, vector<16xi32>
        %add3A_231 = arith.constant 100000 : i32
        %add3A_232 = vector.broadcast %add3A_231 : i32 to vector<16xi32>
        %add3A_233 = arith.addi %add3A_232, %iota3A : vector<16xi32>
        %select_n3A = arith.select %unique3A, %get3A_227, %add3A_233 : vector<16xi1>, vector<16xi32>
        %convert_element_type3A_234 = arith.sitofp %unique3A_230 : vector<16xi32> to vector<16xf32>
        %mul3A_235 = arith.constant 16 : i32
        %mul3A_236 = arith.muli %scan3A_223, %mul3A_235 : i32
        %swap3A = arith.constant 5 : i32
        %swap3A_237 = arith.index_cast %swap3A : i32 to index
        %swap3A_238 = arith.index_cast %mul3A_236 : i32 to index
        %swap3A_239 = tpu.vector_load %arg5[%swap3A_237, %swap3A_238] {strides = array<i32>} : memref<8x128xf32, #tpu.memory_space<vmem>>, vector<16xf32>,
        tpu.vector_store %arg5[%swap3A_237, %swap3A_238], %convert_element_type3A_234 {strides = array<i32>} : memref<8x128xf32, #tpu.memory_space<vmem>>, vector<16xf32>,
        %mul3A_240 = arith.constant 16 : i32
        %mul3A_241 = arith.muli %scan3A_223, %mul3A_240 : i32
        %swap3A_242 = arith.constant 5 : i32
        %swap3A_243 = arith.index_cast %swap3A_242 : i32 to index
        %swap3A_244 = arith.index_cast %mul3A_241 : i32 to index
        %swap3A_245 = tpu.vector_load %arg6[%swap3A_243, %swap3A_244] {strides = array<i32>} : memref<8x128xi32, #tpu.memory_space<vmem>>, vector<16xi32>,
        tpu.vector_store %arg6[%swap3A_243, %swap3A_244], %select_n3A {strides = array<i32>} : memref<8x128xi32, #tpu.memory_space<vmem>>, vector<16xi32>,
        %scan3A_246 = arith.constant 1 : i32
        %scan3A_247 = arith.addi %scan3A_223, %scan3A_246 : i32
        %mul3A_248 = arith.constant 16 : i32
        %mul3A_249 = arith.muli %scan3A_247, %mul3A_248 : i32
        %add3A_250 = arith.constant 640 : i32
        %add3A_251 = arith.addi %add3A_250, %mul3A_249 : i32
        %get3A_252 = arith.index_cast %add3A_251 : i32 to index
        %get3A_253 = tpu.vector_load %arg4[%get3A_252] {strides = array<i32>} : memref<1024xi32, #tpu.memory_space<vmem>>, vector<16xi32>,
        %broadcast_in_dim3A_254 = arith.constant true
        %broadcast_in_dim3A_255 = vector.broadcast %broadcast_in_dim3A_254 : i1 to vector<16xi1>
        %unique3A_256, %unique3A_257 = tpu.scan_count mask(%broadcast_in_dim3A_255 : vector<16xi1>) value(%get3A_253 : vector<16xi32>) : vector<16xi1>, vector<16xi32>
        %add3A_258 = arith.constant 100000 : i32
        %add3A_259 = vector.broadcast %add3A_258 : i32 to vector<16xi32>
        %add3A_260 = arith.addi %add3A_259, %iota3A : vector<16xi32>
        %select_n3A_261 = arith.select %unique3A_256, %get3A_253, %add3A_260 : vector<16xi1>, vector<16xi32>
        %convert_element_type3A_262 = arith.sitofp %unique3A_257 : vector<16xi32> to vector<16xf32>
        %mul3A_263 = arith.constant 16 : i32
        %mul3A_264 = arith.muli %scan3A_247, %mul3A_263 : i32
        %swap3A_265 = arith.constant 5 : i32
        %swap3A_266 = arith.index_cast %swap3A_265 : i32 to index
        %swap3A_267 = arith.index_cast %mul3A_264 : i32 to index
        %swap3A_268 = tpu.vector_load %arg5[%swap3A_266, %swap3A_267] {strides = array<i32>} : memref<8x128xf32, #tpu.memory_space<vmem>>, vector<16xf32>,
        tpu.vector_store %arg5[%swap3A_266, %swap3A_267], %convert_element_type3A_262 {strides = array<i32>} : memref<8x128xf32, #tpu.memory_space<vmem>>, vector<16xf32>,
        %mul3A_269 = arith.constant 16 : i32
        %mul3A_270 = arith.muli %scan3A_247, %mul3A_269 : i32
        %swap3A_271 = arith.constant 5 : i32
        %swap3A_272 = arith.index_cast %swap3A_271 : i32 to index
        %swap3A_273 = arith.index_cast %mul3A_270 : i32 to index
        %swap3A_274 = tpu.vector_load %arg6[%swap3A_272, %swap3A_273] {strides = array<i32>} : memref<8x128xi32, #tpu.memory_space<vmem>>, vector<16xi32>,
        tpu.vector_store %arg6[%swap3A_272, %swap3A_273], %select_n3A_261 {strides = array<i32>} : memref<8x128xi32, #tpu.memory_space<vmem>>, vector<16xi32>,
      }
      %scan3A_46 = arith.constant 8 : i32
      %scan3A_47 = arith.constant 0 : i32
      %scan3A_48 = arith.constant 0 : i32
      %scan3A_49 = arith.constant 8 : i32
      %scan3A_50 = arith.addi %scan3A_48, %scan3A_49 : i32
      %scan3A_51 = arith.constant 2 : i32
      scf.for %scan3A_223 = %scan3A_48 to %scan3A_50 step %scan3A_51  : i32 {
        %mul3A_224 = arith.constant 16 : i32
        %mul3A_225 = arith.muli %scan3A_223, %mul3A_224 : i32
        %add3A = arith.constant 768 : i32
        %add3A_226 = arith.addi %add3A, %mul3A_225 : i32
        %get3A = arith.index_cast %add3A_226 : i32 to index
        %get3A_227 = tpu.vector_load %arg4[%get3A] {strides = array<i32>} : memref<1024xi32, #tpu.memory_space<vmem>>, vector<16xi32>,
        %broadcast_in_dim3A_228 = arith.constant true
        %broadcast_in_dim3A_229 = vector.broadcast %broadcast_in_dim3A_228 : i1 to vector<16xi1>
        %unique3A, %unique3A_230 = tpu.scan_count mask(%broadcast_in_dim3A_229 : vector<16xi1>) value(%get3A_227 : vector<16xi32>) : vector<16xi1>, vector<16xi32>
        %add3A_231 = arith.constant 100000 : i32
        %add3A_232 = vector.broadcast %add3A_231 : i32 to vector<16xi32>
        %add3A_233 = arith.addi %add3A_232, %iota3A : vector<16xi32>
        %select_n3A = arith.select %unique3A, %get3A_227, %add3A_233 : vector<16xi1>, vector<16xi32>
        %convert_element_type3A_234 = arith.sitofp %unique3A_230 : vector<16xi32> to vector<16xf32>
        %mul3A_235 = arith.constant 16 : i32
        %mul3A_236 = arith.muli %scan3A_223, %mul3A_235 : i32
        %swap3A = arith.constant 6 : i32
        %swap3A_237 = arith.index_cast %swap3A : i32 to index
        %swap3A_238 = arith.index_cast %mul3A_236 : i32 to index
        %swap3A_239 = tpu.vector_load %arg5[%swap3A_237, %swap3A_238] {strides = array<i32>} : memref<8x128xf32, #tpu.memory_space<vmem>>, vector<16xf32>,
        tpu.vector_store %arg5[%swap3A_237, %swap3A_238], %convert_element_type3A_234 {strides = array<i32>} : memref<8x128xf32, #tpu.memory_space<vmem>>, vector<16xf32>,
        %mul3A_240 = arith.constant 16 : i32
        %mul3A_241 = arith.muli %scan3A_223, %mul3A_240 : i32
        %swap3A_242 = arith.constant 6 : i32
        %swap3A_243 = arith.index_cast %swap3A_242 : i32 to index
        %swap3A_244 = arith.index_cast %mul3A_241 : i32 to index
        %swap3A_245 = tpu.vector_load %arg6[%swap3A_243, %swap3A_244] {strides = array<i32>} : memref<8x128xi32, #tpu.memory_space<vmem>>, vector<16xi32>,
        tpu.vector_store %arg6[%swap3A_243, %swap3A_244], %select_n3A {strides = array<i32>} : memref<8x128xi32, #tpu.memory_space<vmem>>, vector<16xi32>,
        %scan3A_246 = arith.constant 1 : i32
        %scan3A_247 = arith.addi %scan3A_223, %scan3A_246 : i32
        %mul3A_248 = arith.constant 16 : i32
        %mul3A_249 = arith.muli %scan3A_247, %mul3A_248 : i32
        %add3A_250 = arith.constant 768 : i32
        %add3A_251 = arith.addi %add3A_250, %mul3A_249 : i32
        %get3A_252 = arith.index_cast %add3A_251 : i32 to index
        %get3A_253 = tpu.vector_load %arg4[%get3A_252] {strides = array<i32>} : memref<1024xi32, #tpu.memory_space<vmem>>, vector<16xi32>,
        %broadcast_in_dim3A_254 = arith.constant true
        %broadcast_in_dim3A_255 = vector.broadcast %broadcast_in_dim3A_254 : i1 to vector<16xi1>
        %unique3A_256, %unique3A_257 = tpu.scan_count mask(%broadcast_in_dim3A_255 : vector<16xi1>) value(%get3A_253 : vector<16xi32>) : vector<16xi1>, vector<16xi32>
        %add3A_258 = arith.constant 100000 : i32
        %add3A_259 = vector.broadcast %add3A_258 : i32 to vector<16xi32>
        %add3A_260 = arith.addi %add3A_259, %iota3A : vector<16xi32>
        %select_n3A_261 = arith.select %unique3A_256, %get3A_253, %add3A_260 : vector<16xi1>, vector<16xi32>
        %convert_element_type3A_262 = arith.sitofp %unique3A_257 : vector<16xi32> to vector<16xf32>
        %mul3A_263 = arith.constant 16 : i32
        %mul3A_264 = arith.muli %scan3A_247, %mul3A_263 : i32
        %swap3A_265 = arith.constant 6 : i32
        %swap3A_266 = arith.index_cast %swap3A_265 : i32 to index
        %swap3A_267 = arith.index_cast %mul3A_264 : i32 to index
        %swap3A_268 = tpu.vector_load %arg5[%swap3A_266, %swap3A_267] {strides = array<i32>} : memref<8x128xf32, #tpu.memory_space<vmem>>, vector<16xf32>,
        tpu.vector_store %arg5[%swap3A_266, %swap3A_267], %convert_element_type3A_262 {strides = array<i32>} : memref<8x128xf32, #tpu.memory_space<vmem>>, vector<16xf32>,
        %mul3A_269 = arith.constant 16 : i32
        %mul3A_270 = arith.muli %scan3A_247, %mul3A_269 : i32
        %swap3A_271 = arith.constant 6 : i32
        %swap3A_272 = arith.index_cast %swap3A_271 : i32 to index
        %swap3A_273 = arith.index_cast %mul3A_270 : i32 to index
        %swap3A_274 = tpu.vector_load %arg6[%swap3A_272, %swap3A_273] {strides = array<i32>} : memref<8x128xi32, #tpu.memory_space<vmem>>, vector<16xi32>,
        tpu.vector_store %arg6[%swap3A_272, %swap3A_273], %select_n3A_261 {strides = array<i32>} : memref<8x128xi32, #tpu.memory_space<vmem>>, vector<16xi32>,
      }
      %scan3A_52 = arith.constant 8 : i32
      %scan3A_53 = arith.constant 0 : i32
      %scan3A_54 = arith.constant 0 : i32
      %scan3A_55 = arith.constant 8 : i32
      %scan3A_56 = arith.addi %scan3A_54, %scan3A_55 : i32
      %scan3A_57 = arith.constant 2 : i32
      scf.for %scan3A_223 = %scan3A_54 to %scan3A_56 step %scan3A_57  : i32 {
        %mul3A_224 = arith.constant 16 : i32
        %mul3A_225 = arith.muli %scan3A_223, %mul3A_224 : i32
        %add3A = arith.constant 896 : i32
        %add3A_226 = arith.addi %add3A, %mul3A_225 : i32
        %get3A = arith.index_cast %add3A_226 : i32 to index
        %get3A_227 = tpu.vector_load %arg4[%get3A] {strides = array<i32>} : memref<1024xi32, #tpu.memory_space<vmem>>, vector<16xi32>,
        %broadcast_in_dim3A_228 = arith.constant true
        %broadcast_in_dim3A_229 = vector.broadcast %broadcast_in_dim3A_228 : i1 to vector<16xi1>
        %unique3A, %unique3A_230 = tpu.scan_count mask(%broadcast_in_dim3A_229 : vector<16xi1>) value(%get3A_227 : vector<16xi32>) : vector<16xi1>, vector<16xi32>
        %add3A_231 = arith.constant 100000 : i32
        %add3A_232 = vector.broadcast %add3A_231 : i32 to vector<16xi32>
        %add3A_233 = arith.addi %add3A_232, %iota3A : vector<16xi32>
        %select_n3A = arith.select %unique3A, %get3A_227, %add3A_233 : vector<16xi1>, vector<16xi32>
        %convert_element_type3A_234 = arith.sitofp %unique3A_230 : vector<16xi32> to vector<16xf32>
        %mul3A_235 = arith.constant 16 : i32
        %mul3A_236 = arith.muli %scan3A_223, %mul3A_235 : i32
        %swap3A = arith.constant 7 : i32
        %swap3A_237 = arith.index_cast %swap3A : i32 to index
        %swap3A_238 = arith.index_cast %mul3A_236 : i32 to index
        %swap3A_239 = tpu.vector_load %arg5[%swap3A_237, %swap3A_238] {strides = array<i32>} : memref<8x128xf32, #tpu.memory_space<vmem>>, vector<16xf32>,
        tpu.vector_store %arg5[%swap3A_237, %swap3A_238], %convert_element_type3A_234 {strides = array<i32>} : memref<8x128xf32, #tpu.memory_space<vmem>>, vector<16xf32>,
        %mul3A_240 = arith.constant 16 : i32
        %mul3A_241 = arith.muli %scan3A_223, %mul3A_240 : i32
        %swap3A_242 = arith.constant 7 : i32
        %swap3A_243 = arith.index_cast %swap3A_242 : i32 to index
        %swap3A_244 = arith.index_cast %mul3A_241 : i32 to index
        %swap3A_245 = tpu.vector_load %arg6[%swap3A_243, %swap3A_244] {strides = array<i32>} : memref<8x128xi32, #tpu.memory_space<vmem>>, vector<16xi32>,
        tpu.vector_store %arg6[%swap3A_243, %swap3A_244], %select_n3A {strides = array<i32>} : memref<8x128xi32, #tpu.memory_space<vmem>>, vector<16xi32>,
        %scan3A_246 = arith.constant 1 : i32
        %scan3A_247 = arith.addi %scan3A_223, %scan3A_246 : i32
        %mul3A_248 = arith.constant 16 : i32
        %mul3A_249 = arith.muli %scan3A_247, %mul3A_248 : i32
        %add3A_250 = arith.constant 896 : i32
        %add3A_251 = arith.addi %add3A_250, %mul3A_249 : i32
        %get3A_252 = arith.index_cast %add3A_251 : i32 to index
        %get3A_253 = tpu.vector_load %arg4[%get3A_252] {strides = array<i32>} : memref<1024xi32, #tpu.memory_space<vmem>>, vector<16xi32>,
        %broadcast_in_dim3A_254 = arith.constant true
        %broadcast_in_dim3A_255 = vector.broadcast %broadcast_in_dim3A_254 : i1 to vector<16xi1>
        %unique3A_256, %unique3A_257 = tpu.scan_count mask(%broadcast_in_dim3A_255 : vector<16xi1>) value(%get3A_253 : vector<16xi32>) : vector<16xi1>, vector<16xi32>
        %add3A_258 = arith.constant 100000 : i32
        %add3A_259 = vector.broadcast %add3A_258 : i32 to vector<16xi32>
        %add3A_260 = arith.addi %add3A_259, %iota3A : vector<16xi32>
        %select_n3A_261 = arith.select %unique3A_256, %get3A_253, %add3A_260 : vector<16xi1>, vector<16xi32>
        %convert_element_type3A_262 = arith.sitofp %unique3A_257 : vector<16xi32> to vector<16xf32>
        %mul3A_263 = arith.constant 16 : i32
        %mul3A_264 = arith.muli %scan3A_247, %mul3A_263 : i32
        %swap3A_265 = arith.constant 7 : i32
        %swap3A_266 = arith.index_cast %swap3A_265 : i32 to index
        %swap3A_267 = arith.index_cast %mul3A_264 : i32 to index
        %swap3A_268 = tpu.vector_load %arg5[%swap3A_266, %swap3A_267] {strides = array<i32>} : memref<8x128xf32, #tpu.memory_space<vmem>>, vector<16xf32>,
        tpu.vector_store %arg5[%swap3A_266, %swap3A_267], %convert_element_type3A_262 {strides = array<i32>} : memref<8x128xf32, #tpu.memory_space<vmem>>, vector<16xf32>,
        %mul3A_269 = arith.constant 16 : i32
        %mul3A_270 = arith.muli %scan3A_247, %mul3A_269 : i32
        %swap3A_271 = arith.constant 7 : i32
        %swap3A_272 = arith.index_cast %swap3A_271 : i32 to index
        %swap3A_273 = arith.index_cast %mul3A_270 : i32 to index
        %swap3A_274 = tpu.vector_load %arg6[%swap3A_272, %swap3A_273] {strides = array<i32>} : memref<8x128xi32, #tpu.memory_space<vmem>>, vector<16xi32>,
        tpu.vector_store %arg6[%swap3A_272, %swap3A_273], %select_n3A_261 {strides = array<i32>} : memref<8x128xi32, #tpu.memory_space<vmem>>, vector<16xi32>,
      }
      %scan3A_58 = arith.constant 8 : i32
      %barrier3A = arith.constant 0 : index
      tpu.barrier barrier_id(%barrier3A)
      %dma_start3A = arith.constant 0 : i32
      %dma_start3A_59 = arith.constant 0 : i32
      %dma_start3A_60 = arith.constant 0 : i32
      %dma_start3A_61 = tpu.memref_slice %arg5[%dma_start3A, %dma_start3A_60] : memref<8x128xf32, #tpu.memory_space<vmem>> -> memref<1x128xf32, #tpu.memory_space<vmem>>
      %dma_start3A_62 = tpu.memref_squeeze %dma_start3A_61 : memref<1x128xf32, #tpu.memory_space<vmem>> -> memref<128xf32, #tpu.memory_space<vmem>>
      %dma_start3A_63 = arith.constant 0 : i32
      %dma_start3A_64 = tpu.memref_slice %arg6[%dma_start3A_59, %dma_start3A_63] : memref<8x128xi32, #tpu.memory_space<vmem>> -> memref<1x128xi32, #tpu.memory_space<vmem>>
      %dma_start3A_65 = tpu.memref_squeeze %dma_start3A_64 : memref<1x128xi32, #tpu.memory_space<vmem>> -> memref<128xi32, #tpu.memory_space<vmem>>
      %dma_start3A_66 = arith.constant 0 : i32
      %dma_start3A_67 = tpu.memref_slice %arg8[%dma_start3A_66] : memref<100352xf32, #tpu.memory_space<vmem_shared>> -> memref<100352xf32, #tpu.memory_space<vmem_shared>>
      tpu.enqueue_indirect_dma source(%dma_start3A_62 : memref<128xf32, #tpu.memory_space<vmem>>) target(%dma_start3A_67 : memref<100352xf32, #tpu.memory_space<vmem_shared>>) offsets(%dma_start3A_65 : memref<128xi32, #tpu.memory_space<vmem>>) semaphore(%arg9 : memref<!tpu.dma_semaphore, #tpu.memory_space<semaphore_mem>>) {add = true}
      %dma_start3A_68 = arith.constant 1 : i32
      %dma_start3A_69 = arith.constant 1 : i32
      %dma_start3A_70 = arith.constant 0 : i32
      %dma_start3A_71 = tpu.memref_slice %arg5[%dma_start3A_68, %dma_start3A_70] : memref<8x128xf32, #tpu.memory_space<vmem>> -> memref<1x128xf32, #tpu.memory_space<vmem>>
      %dma_start3A_72 = tpu.memref_squeeze %dma_start3A_71 : memref<1x128xf32, #tpu.memory_space<vmem>> -> memref<128xf32, #tpu.memory_space<vmem>>
      %dma_start3A_73 = arith.constant 0 : i32
      %dma_start3A_74 = tpu.memref_slice %arg6[%dma_start3A_69, %dma_start3A_73] : memref<8x128xi32, #tpu.memory_space<vmem>> -> memref<1x128xi32, #tpu.memory_space<vmem>>
      %dma_start3A_75 = tpu.memref_squeeze %dma_start3A_74 : memref<1x128xi32, #tpu.memory_space<vmem>> -> memref<128xi32, #tpu.memory_space<vmem>>
      %dma_start3A_76 = arith.constant 0 : i32
      %dma_start3A_77 = tpu.memref_slice %arg8[%dma_start3A_76] : memref<100352xf32, #tpu.memory_space<vmem_shared>> -> memref<100352xf32, #tpu.memory_space<vmem_shared>>
      tpu.enqueue_indirect_dma source(%dma_start3A_72 : memref<128xf32, #tpu.memory_space<vmem>>) target(%dma_start3A_77 : memref<100352xf32, #tpu.memory_space<vmem_shared>>) offsets(%dma_start3A_75 : memref<128xi32, #tpu.memory_space<vmem>>) semaphore(%arg9 : memref<!tpu.dma_semaphore, #tpu.memory_space<semaphore_mem>>) {add = true}
      %dma_start3A_78 = arith.constant 2 : i32
      %dma_start3A_79 = arith.constant 2 : i32
      %dma_start3A_80 = arith.constant 0 : i32
      %dma_start3A_81 = tpu.memref_slice %arg5[%dma_start3A_78, %dma_start3A_80] : memref<8x128xf32, #tpu.memory_space<vmem>> -> memref<1x128xf32, #tpu.memory_space<vmem>>
      %dma_start3A_82 = tpu.memref_squeeze %dma_start3A_81 : memref<1x128xf32, #tpu.memory_space<vmem>> -> memref<128xf32, #tpu.memory_space<vmem>>
      %dma_start3A_83 = arith.constant 0 : i32
      %dma_start3A_84 = tpu.memref_slice %arg6[%dma_start3A_79, %dma_start3A_83] : memref<8x128xi32, #tpu.memory_space<vmem>> -> memref<1x128xi32, #tpu.memory_space<vmem>>
      %dma_start3A_85 = tpu.memref_squeeze %dma_start3A_84 : memref<1x128xi32, #tpu.memory_space<vmem>> -> memref<128xi32, #tpu.memory_space<vmem>>
      %dma_start3A_86 = arith.constant 0 : i32
      %dma_start3A_87 = tpu.memref_slice %arg8[%dma_start3A_86] : memref<100352xf32, #tpu.memory_space<vmem_shared>> -> memref<100352xf32, #tpu.memory_space<vmem_shared>>
      tpu.enqueue_indirect_dma source(%dma_start3A_82 : memref<128xf32, #tpu.memory_space<vmem>>) target(%dma_start3A_87 : memref<100352xf32, #tpu.memory_space<vmem_shared>>) offsets(%dma_start3A_85 : memref<128xi32, #tpu.memory_space<vmem>>) semaphore(%arg9 : memref<!tpu.dma_semaphore, #tpu.memory_space<semaphore_mem>>) {add = true}
      %dma_start3A_88 = arith.constant 3 : i32
      %dma_start3A_89 = arith.constant 3 : i32
      %dma_start3A_90 = arith.constant 0 : i32
      %dma_start3A_91 = tpu.memref_slice %arg5[%dma_start3A_88, %dma_start3A_90] : memref<8x128xf32, #tpu.memory_space<vmem>> -> memref<1x128xf32, #tpu.memory_space<vmem>>
      %dma_start3A_92 = tpu.memref_squeeze %dma_start3A_91 : memref<1x128xf32, #tpu.memory_space<vmem>> -> memref<128xf32, #tpu.memory_space<vmem>>
      %dma_start3A_93 = arith.constant 0 : i32
      %dma_start3A_94 = tpu.memref_slice %arg6[%dma_start3A_89, %dma_start3A_93] : memref<8x128xi32, #tpu.memory_space<vmem>> -> memref<1x128xi32, #tpu.memory_space<vmem>>
      %dma_start3A_95 = tpu.memref_squeeze %dma_start3A_94 : memref<1x128xi32, #tpu.memory_space<vmem>> -> memref<128xi32, #tpu.memory_space<vmem>>
      %dma_start3A_96 = arith.constant 0 : i32
      %dma_start3A_97 = tpu.memref_slice %arg8[%dma_start3A_96] : memref<100352xf32, #tpu.memory_space<vmem_shared>> -> memref<100352xf32, #tpu.memory_space<vmem_shared>>
      tpu.enqueue_indirect_dma source(%dma_start3A_92 : memref<128xf32, #tpu.memory_space<vmem>>) target(%dma_start3A_97 : memref<100352xf32, #tpu.memory_space<vmem_shared>>) offsets(%dma_start3A_95 : memref<128xi32, #tpu.memory_space<vmem>>) semaphore(%arg9 : memref<!tpu.dma_semaphore, #tpu.memory_space<semaphore_mem>>) {add = true}
      %dma_start3A_98 = arith.constant 4 : i32
      %dma_start3A_99 = arith.constant 4 : i32
      %dma_start3A_100 = arith.constant 0 : i32
      %dma_start3A_101 = tpu.memref_slice %arg5[%dma_start3A_98, %dma_start3A_100] : memref<8x128xf32, #tpu.memory_space<vmem>> -> memref<1x128xf32, #tpu.memory_space<vmem>>
      %dma_start3A_102 = tpu.memref_squeeze %dma_start3A_101 : memref<1x128xf32, #tpu.memory_space<vmem>> -> memref<128xf32, #tpu.memory_space<vmem>>
      %dma_start3A_103 = arith.constant 0 : i32
      %dma_start3A_104 = tpu.memref_slice %arg6[%dma_start3A_99, %dma_start3A_103] : memref<8x128xi32, #tpu.memory_space<vmem>> -> memref<1x128xi32, #tpu.memory_space<vmem>>
      %dma_start3A_105 = tpu.memref_squeeze %dma_start3A_104 : memref<1x128xi32, #tpu.memory_space<vmem>> -> memref<128xi32, #tpu.memory_space<vmem>>
      %dma_start3A_106 = arith.constant 0 : i32
      %dma_start3A_107 = tpu.memref_slice %arg8[%dma_start3A_106] : memref<100352xf32, #tpu.memory_space<vmem_shared>> -> memref<100352xf32, #tpu.memory_space<vmem_shared>>
      tpu.enqueue_indirect_dma source(%dma_start3A_102 : memref<128xf32, #tpu.memory_space<vmem>>) target(%dma_start3A_107 : memref<100352xf32, #tpu.memory_space<vmem_shared>>) offsets(%dma_start3A_105 : memref<128xi32, #tpu.memory_space<vmem>>) semaphore(%arg9 : memref<!tpu.dma_semaphore, #tpu.memory_space<semaphore_mem>>) {add = true}
      %dma_start3A_108 = arith.constant 5 : i32
      %dma_start3A_109 = arith.constant 5 : i32
      %dma_start3A_110 = arith.constant 0 : i32
      %dma_start3A_111 = tpu.memref_slice %arg5[%dma_start3A_108, %dma_start3A_110] : memref<8x128xf32, #tpu.memory_space<vmem>> -> memref<1x128xf32, #tpu.memory_space<vmem>>
      %dma_start3A_112 = tpu.memref_squeeze %dma_start3A_111 : memref<1x128xf32, #tpu.memory_space<vmem>> -> memref<128xf32, #tpu.memory_space<vmem>>
      %dma_start3A_113 = arith.constant 0 : i32
      %dma_start3A_114 = tpu.memref_slice %arg6[%dma_start3A_109, %dma_start3A_113] : memref<8x128xi32, #tpu.memory_space<vmem>> -> memref<1x128xi32, #tpu.memory_space<vmem>>
      %dma_start3A_115 = tpu.memref_squeeze %dma_start3A_114 : memref<1x128xi32, #tpu.memory_space<vmem>> -> memref<128xi32, #tpu.memory_space<vmem>>
      %dma_start3A_116 = arith.constant 0 : i32
      %dma_start3A_117 = tpu.memref_slice %arg8[%dma_start3A_116] : memref<100352xf32, #tpu.memory_space<vmem_shared>> -> memref<100352xf32, #tpu.memory_space<vmem_shared>>
      tpu.enqueue_indirect_dma source(%dma_start3A_112 : memref<128xf32, #tpu.memory_space<vmem>>) target(%dma_start3A_117 : memref<100352xf32, #tpu.memory_space<vmem_shared>>) offsets(%dma_start3A_115 : memref<128xi32, #tpu.memory_space<vmem>>) semaphore(%arg9 : memref<!tpu.dma_semaphore, #tpu.memory_space<semaphore_mem>>) {add = true}
      %dma_start3A_118 = arith.constant 6 : i32
      %dma_start3A_119 = arith.constant 6 : i32
      %dma_start3A_120 = arith.constant 0 : i32
      %dma_start3A_121 = tpu.memref_slice %arg5[%dma_start3A_118, %dma_start3A_120] : memref<8x128xf32, #tpu.memory_space<vmem>> -> memref<1x128xf32, #tpu.memory_space<vmem>>
      %dma_start3A_122 = tpu.memref_squeeze %dma_start3A_121 : memref<1x128xf32, #tpu.memory_space<vmem>> -> memref<128xf32, #tpu.memory_space<vmem>>
      %dma_start3A_123 = arith.constant 0 : i32
      %dma_start3A_124 = tpu.memref_slice %arg6[%dma_start3A_119, %dma_start3A_123] : memref<8x128xi32, #tpu.memory_space<vmem>> -> memref<1x128xi32, #tpu.memory_space<vmem>>
      %dma_start3A_125 = tpu.memref_squeeze %dma_start3A_124 : memref<1x128xi32, #tpu.memory_space<vmem>> -> memref<128xi32, #tpu.memory_space<vmem>>
      %dma_start3A_126 = arith.constant 0 : i32
      %dma_start3A_127 = tpu.memref_slice %arg8[%dma_start3A_126] : memref<100352xf32, #tpu.memory_space<vmem_shared>> -> memref<100352xf32, #tpu.memory_space<vmem_shared>>
      tpu.enqueue_indirect_dma source(%dma_start3A_122 : memref<128xf32, #tpu.memory_space<vmem>>) target(%dma_start3A_127 : memref<100352xf32, #tpu.memory_space<vmem_shared>>) offsets(%dma_start3A_125 : memref<128xi32, #tpu.memory_space<vmem>>) semaphore(%arg9 : memref<!tpu.dma_semaphore, #tpu.memory_space<semaphore_mem>>) {add = true}
      %dma_start3A_128 = arith.constant 7 : i32
      %dma_start3A_129 = arith.constant 7 : i32
      %dma_start3A_130 = arith.constant 0 : i32
      %dma_start3A_131 = tpu.memref_slice %arg5[%dma_start3A_128, %dma_start3A_130] : memref<8x128xf32, #tpu.memory_space<vmem>> -> memref<1x128xf32, #tpu.memory_space<vmem>>
      %dma_start3A_132 = tpu.memref_squeeze %dma_start3A_131 : memref<1x128xf32, #tpu.memory_space<vmem>> -> memref<128xf32, #tpu.memory_space<vmem>>
      %dma_start3A_133 = arith.constant 0 : i32
      %dma_start3A_134 = tpu.memref_slice %arg6[%dma_start3A_129, %dma_start3A_133] : memref<8x128xi32, #tpu.memory_space<vmem>> -> memref<1x128xi32, #tpu.memory_space<vmem>>
      %dma_start3A_135 = tpu.memref_squeeze %dma_start3A_134 : memref<1x128xi32, #tpu.memory_space<vmem>> -> memref<128xi32, #tpu.memory_space<vmem>>
      %dma_start3A_136 = arith.constant 0 : i32
      %dma_start3A_137 = tpu.memref_slice %arg8[%dma_start3A_136] : memref<100352xf32, #tpu.memory_space<vmem_shared>> -> memref<100352xf32, #tpu.memory_space<vmem_shared>>
      tpu.enqueue_indirect_dma source(%dma_start3A_132 : memref<128xf32, #tpu.memory_space<vmem>>) target(%dma_start3A_137 : memref<100352xf32, #tpu.memory_space<vmem_shared>>) offsets(%dma_start3A_135 : memref<128xi32, #tpu.memory_space<vmem>>) semaphore(%arg9 : memref<!tpu.dma_semaphore, #tpu.memory_space<semaphore_mem>>) {add = true}
      %dma_wait3A = arith.constant 0 : i32
      %dma_wait3A_138 = arith.constant 0 : i32
      %dma_wait3A_139 = arith.constant 0 : i32
      %dma_wait3A_140 = tpu.memref_slice %arg5[%dma_wait3A, %dma_wait3A_139] : memref<8x128xf32, #tpu.memory_space<vmem>> -> memref<1x128xf32, #tpu.memory_space<vmem>>
      %dma_wait3A_141 = tpu.memref_squeeze %dma_wait3A_140 : memref<1x128xf32, #tpu.memory_space<vmem>> -> memref<128xf32, #tpu.memory_space<vmem>>
      %dma_wait3A_142 = arith.constant 0 : i32
      %dma_wait3A_143 = tpu.memref_slice %arg6[%dma_wait3A_138, %dma_wait3A_142] : memref<8x128xi32, #tpu.memory_space<vmem>> -> memref<1x128xi32, #tpu.memory_space<vmem>>
      %dma_wait3A_144 = tpu.memref_squeeze %dma_wait3A_143 : memref<1x128xi32, #tpu.memory_space<vmem>> -> memref<128xi32, #tpu.memory_space<vmem>>
      %dma_wait3A_145 = arith.constant 0 : i32
      %dma_wait3A_146 = tpu.memref_slice %arg8[%dma_wait3A_145] : memref<100352xf32, #tpu.memory_space<vmem_shared>> -> memref<100352xf32, #tpu.memory_space<vmem_shared>>
      tpu.wait_indirect_dma semaphore(%arg9 : memref<!tpu.dma_semaphore, #tpu.memory_space<semaphore_mem>>) src(%dma_wait3A_141 : memref<128xf32, #tpu.memory_space<vmem>>) dst(%dma_wait3A_146 : memref<100352xf32, #tpu.memory_space<vmem_shared>>)
      %dma_wait3A_147 = arith.constant 1 : i32
      %dma_wait3A_148 = arith.constant 1 : i32
      %dma_wait3A_149 = arith.constant 0 : i32
      %dma_wait3A_150 = tpu.memref_slice %arg5[%dma_wait3A_147, %dma_wait3A_149] : memref<8x128xf32, #tpu.memory_space<vmem>> -> memref<1x128xf32, #tpu.memory_space<vmem>>
      %dma_wait3A_151 = tpu.memref_squeeze %dma_wait3A_150 : memref<1x128xf32, #tpu.memory_space<vmem>> -> memref<128xf32, #tpu.memory_space<vmem>>
      %dma_wait3A_152 = arith.constant 0 : i32
      %dma_wait3A_153 = tpu.memref_slice %arg6[%dma_wait3A_148, %dma_wait3A_152] : memref<8x128xi32, #tpu.memory_space<vmem>> -> memref<1x128xi32, #tpu.memory_space<vmem>>
      %dma_wait3A_154 = tpu.memref_squeeze %dma_wait3A_153 : memref<1x128xi32, #tpu.memory_space<vmem>> -> memref<128xi32, #tpu.memory_space<vmem>>
      %dma_wait3A_155 = arith.constant 0 : i32
      %dma_wait3A_156 = tpu.memref_slice %arg8[%dma_wait3A_155] : memref<100352xf32, #tpu.memory_space<vmem_shared>> -> memref<100352xf32, #tpu.memory_space<vmem_shared>>
      tpu.wait_indirect_dma semaphore(%arg9 : memref<!tpu.dma_semaphore, #tpu.memory_space<semaphore_mem>>) src(%dma_wait3A_151 : memref<128xf32, #tpu.memory_space<vmem>>) dst(%dma_wait3A_156 : memref<100352xf32, #tpu.memory_space<vmem_shared>>)
      %dma_wait3A_157 = arith.constant 2 : i32
      %dma_wait3A_158 = arith.constant 2 : i32
      %dma_wait3A_159 = arith.constant 0 : i32
      %dma_wait3A_160 = tpu.memref_slice %arg5[%dma_wait3A_157, %dma_wait3A_159] : memref<8x128xf32, #tpu.memory_space<vmem>> -> memref<1x128xf32, #tpu.memory_space<vmem>>
      %dma_wait3A_161 = tpu.memref_squeeze %dma_wait3A_160 : memref<1x128xf32, #tpu.memory_space<vmem>> -> memref<128xf32, #tpu.memory_space<vmem>>
      %dma_wait3A_162 = arith.constant 0 : i32
      %dma_wait3A_163 = tpu.memref_slice %arg6[%dma_wait3A_158, %dma_wait3A_162] : memref<8x128xi32, #tpu.memory_space<vmem>> -> memref<1x128xi32, #tpu.memory_space<vmem>>
      %dma_wait3A_164 = tpu.memref_squeeze %dma_wait3A_163 : memref<1x128xi32, #tpu.memory_space<vmem>> -> memref<128xi32, #tpu.memory_space<vmem>>
      %dma_wait3A_165 = arith.constant 0 : i32
      %dma_wait3A_166 = tpu.memref_slice %arg8[%dma_wait3A_165] : memref<100352xf32, #tpu.memory_space<vmem_shared>> -> memref<100352xf32, #tpu.memory_space<vmem_shared>>
      tpu.wait_indirect_dma semaphore(%arg9 : memref<!tpu.dma_semaphore, #tpu.memory_space<semaphore_mem>>) src(%dma_wait3A_161 : memref<128xf32, #tpu.memory_space<vmem>>) dst(%dma_wait3A_166 : memref<100352xf32, #tpu.memory_space<vmem_shared>>)
      %dma_wait3A_167 = arith.constant 3 : i32
      %dma_wait3A_168 = arith.constant 3 : i32
      %dma_wait3A_169 = arith.constant 0 : i32
      %dma_wait3A_170 = tpu.memref_slice %arg5[%dma_wait3A_167, %dma_wait3A_169] : memref<8x128xf32, #tpu.memory_space<vmem>> -> memref<1x128xf32, #tpu.memory_space<vmem>>
      %dma_wait3A_171 = tpu.memref_squeeze %dma_wait3A_170 : memref<1x128xf32, #tpu.memory_space<vmem>> -> memref<128xf32, #tpu.memory_space<vmem>>
      %dma_wait3A_172 = arith.constant 0 : i32
      %dma_wait3A_173 = tpu.memref_slice %arg6[%dma_wait3A_168, %dma_wait3A_172] : memref<8x128xi32, #tpu.memory_space<vmem>> -> memref<1x128xi32, #tpu.memory_space<vmem>>
      %dma_wait3A_174 = tpu.memref_squeeze %dma_wait3A_173 : memref<1x128xi32, #tpu.memory_space<vmem>> -> memref<128xi32, #tpu.memory_space<vmem>>
      %dma_wait3A_175 = arith.constant 0 : i32
      %dma_wait3A_176 = tpu.memref_slice %arg8[%dma_wait3A_175] : memref<100352xf32, #tpu.memory_space<vmem_shared>> -> memref<100352xf32, #tpu.memory_space<vmem_shared>>
      tpu.wait_indirect_dma semaphore(%arg9 : memref<!tpu.dma_semaphore, #tpu.memory_space<semaphore_mem>>) src(%dma_wait3A_171 : memref<128xf32, #tpu.memory_space<vmem>>) dst(%dma_wait3A_176 : memref<100352xf32, #tpu.memory_space<vmem_shared>>)
      %dma_wait3A_177 = arith.constant 4 : i32
      %dma_wait3A_178 = arith.constant 4 : i32
      %dma_wait3A_179 = arith.constant 0 : i32
      %dma_wait3A_180 = tpu.memref_slice %arg5[%dma_wait3A_177, %dma_wait3A_179] : memref<8x128xf32, #tpu.memory_space<vmem>> -> memref<1x128xf32, #tpu.memory_space<vmem>>
      %dma_wait3A_181 = tpu.memref_squeeze %dma_wait3A_180 : memref<1x128xf32, #tpu.memory_space<vmem>> -> memref<128xf32, #tpu.memory_space<vmem>>
      %dma_wait3A_182 = arith.constant 0 : i32
      %dma_wait3A_183 = tpu.memref_slice %arg6[%dma_wait3A_178, %dma_wait3A_182] : memref<8x128xi32, #tpu.memory_space<vmem>> -> memref<1x128xi32, #tpu.memory_space<vmem>>
      %dma_wait3A_184 = tpu.memref_squeeze %dma_wait3A_183 : memref<1x128xi32, #tpu.memory_space<vmem>> -> memref<128xi32, #tpu.memory_space<vmem>>
      %dma_wait3A_185 = arith.constant 0 : i32
      %dma_wait3A_186 = tpu.memref_slice %arg8[%dma_wait3A_185] : memref<100352xf32, #tpu.memory_space<vmem_shared>> -> memref<100352xf32, #tpu.memory_space<vmem_shared>>
      tpu.wait_indirect_dma semaphore(%arg9 : memref<!tpu.dma_semaphore, #tpu.memory_space<semaphore_mem>>) src(%dma_wait3A_181 : memref<128xf32, #tpu.memory_space<vmem>>) dst(%dma_wait3A_186 : memref<100352xf32, #tpu.memory_space<vmem_shared>>)
      %dma_wait3A_187 = arith.constant 5 : i32
      %dma_wait3A_188 = arith.constant 5 : i32
      %dma_wait3A_189 = arith.constant 0 : i32
      %dma_wait3A_190 = tpu.memref_slice %arg5[%dma_wait3A_187, %dma_wait3A_189] : memref<8x128xf32, #tpu.memory_space<vmem>> -> memref<1x128xf32, #tpu.memory_space<vmem>>
      %dma_wait3A_191 = tpu.memref_squeeze %dma_wait3A_190 : memref<1x128xf32, #tpu.memory_space<vmem>> -> memref<128xf32, #tpu.memory_space<vmem>>
      %dma_wait3A_192 = arith.constant 0 : i32
      %dma_wait3A_193 = tpu.memref_slice %arg6[%dma_wait3A_188, %dma_wait3A_192] : memref<8x128xi32, #tpu.memory_space<vmem>> -> memref<1x128xi32, #tpu.memory_space<vmem>>
      %dma_wait3A_194 = tpu.memref_squeeze %dma_wait3A_193 : memref<1x128xi32, #tpu.memory_space<vmem>> -> memref<128xi32, #tpu.memory_space<vmem>>
      %dma_wait3A_195 = arith.constant 0 : i32
      %dma_wait3A_196 = tpu.memref_slice %arg8[%dma_wait3A_195] : memref<100352xf32, #tpu.memory_space<vmem_shared>> -> memref<100352xf32, #tpu.memory_space<vmem_shared>>
      tpu.wait_indirect_dma semaphore(%arg9 : memref<!tpu.dma_semaphore, #tpu.memory_space<semaphore_mem>>) src(%dma_wait3A_191 : memref<128xf32, #tpu.memory_space<vmem>>) dst(%dma_wait3A_196 : memref<100352xf32, #tpu.memory_space<vmem_shared>>)
      %dma_wait3A_197 = arith.constant 6 : i32
      %dma_wait3A_198 = arith.constant 6 : i32
      %dma_wait3A_199 = arith.constant 0 : i32
      %dma_wait3A_200 = tpu.memref_slice %arg5[%dma_wait3A_197, %dma_wait3A_199] : memref<8x128xf32, #tpu.memory_space<vmem>> -> memref<1x128xf32, #tpu.memory_space<vmem>>
      %dma_wait3A_201 = tpu.memref_squeeze %dma_wait3A_200 : memref<1x128xf32, #tpu.memory_space<vmem>> -> memref<128xf32, #tpu.memory_space<vmem>>
      %dma_wait3A_202 = arith.constant 0 : i32
      %dma_wait3A_203 = tpu.memref_slice %arg6[%dma_wait3A_198, %dma_wait3A_202] : memref<8x128xi32, #tpu.memory_space<vmem>> -> memref<1x128xi32, #tpu.memory_space<vmem>>
      %dma_wait3A_204 = tpu.memref_squeeze %dma_wait3A_203 : memref<1x128xi32, #tpu.memory_space<vmem>> -> memref<128xi32, #tpu.memory_space<vmem>>
      %dma_wait3A_205 = arith.constant 0 : i32
      %dma_wait3A_206 = tpu.memref_slice %arg8[%dma_wait3A_205] : memref<100352xf32, #tpu.memory_space<vmem_shared>> -> memref<100352xf32, #tpu.memory_space<vmem_shared>>
      tpu.wait_indirect_dma semaphore(%arg9 : memref<!tpu.dma_semaphore, #tpu.memory_space<semaphore_mem>>) src(%dma_wait3A_201 : memref<128xf32, #tpu.memory_space<vmem>>) dst(%dma_wait3A_206 : memref<100352xf32, #tpu.memory_space<vmem_shared>>)
      %dma_wait3A_207 = arith.constant 7 : i32
      %dma_wait3A_208 = arith.constant 7 : i32
      %dma_wait3A_209 = arith.constant 0 : i32
      %dma_wait3A_210 = tpu.memref_slice %arg5[%dma_wait3A_207, %dma_wait3A_209] : memref<8x128xf32, #tpu.memory_space<vmem>> -> memref<1x128xf32, #tpu.memory_space<vmem>>
      %dma_wait3A_211 = tpu.memref_squeeze %dma_wait3A_210 : memref<1x128xf32, #tpu.memory_space<vmem>> -> memref<128xf32, #tpu.memory_space<vmem>>
      %dma_wait3A_212 = arith.constant 0 : i32
      %dma_wait3A_213 = tpu.memref_slice %arg6[%dma_wait3A_208, %dma_wait3A_212] : memref<8x128xi32, #tpu.memory_space<vmem>> -> memref<1x128xi32, #tpu.memory_space<vmem>>
      %dma_wait3A_214 = tpu.memref_squeeze %dma_wait3A_213 : memref<1x128xi32, #tpu.memory_space<vmem>> -> memref<128xi32, #tpu.memory_space<vmem>>
      %dma_wait3A_215 = arith.constant 0 : i32
      %dma_wait3A_216 = tpu.memref_slice %arg8[%dma_wait3A_215] : memref<100352xf32, #tpu.memory_space<vmem_shared>> -> memref<100352xf32, #tpu.memory_space<vmem_shared>>
      tpu.wait_indirect_dma semaphore(%arg9 : memref<!tpu.dma_semaphore, #tpu.memory_space<semaphore_mem>>) src(%dma_wait3A_211 : memref<128xf32, #tpu.memory_space<vmem>>) dst(%dma_wait3A_216 : memref<100352xf32, #tpu.memory_space<vmem_shared>>)
      %barrier3A_217 = arith.constant 0 : index
      tpu.barrier barrier_id(%barrier3A_217)
      %eq3A_218 = arith.constant 0 : i32
      %eq3A_219 = arith.cmpi eq, %arg1, %eq3A_218 : i32
      %convert_element_type3A_220 = arith.extui %eq3A_219 : i1 to i32
      %cond3A_221 = arith.constant 0 : i32
      %cond3A_222 = arith.cmpi ne, %convert_element_type3A_220, %cond3A_221 : i32
      scf.if %cond3A_222 {
        "tpu.region"() ({
          %run_scoped3A = tpu.sem_alloc : memref<!tpu.dma_semaphore, #tpu.memory_space<semaphore_mem>>
          tpu.enqueue_dma source(%arg8 : memref<100352xf32, #tpu.memory_space<vmem_shared>>) target(%arg3 : memref<100352xf32, #tpu.memory_space<hbm>>) target_semaphore(%run_scoped3A : memref<!tpu.dma_semaphore, #tpu.memory_space<semaphore_mem>>)
          tpu.wait_dma2 semaphore(%run_scoped3A : memref<!tpu.dma_semaphore, #tpu.memory_space<semaphore_mem>>) src(%arg8 : memref<100352xf32, #tpu.memory_space<vmem_shared>>) dst(%arg3 : memref<100352xf32, #tpu.memory_space<hbm>>)
          tpu.yield
        }) : () -> ()
      } else {
      }
    } else {
    }
    return
  }
}

module attributes {stable_mosaic.version = 14 : i64} {
  func.func @body(%arg0: i32, %arg1: memref<100352xf32, #tpu.memory_space<vmem>>, %arg2: memref<32x100000xf32, #tpu.memory_space<vmem>>, %arg3: memref<1x64xf32, #tpu.memory_space<vmem>>, %arg4: memref<1x64xf32, #tpu.memory_space<vmem>>) attributes {dimension_semantics = [#tpu.dimension_semantics<arbitrary>], iteration_bounds = array<i64: 2>, scalar_prefetch = 0 : i64, scratch_operands = 0 : i64, tpu.core_type = #tpu.core_type<tc>, window_params = [{pipeline_mode = #tpu.pipeline_mode<synchronous>, transform_indices = @transform_0, window_bounds = array<i64: 100352>}, {transform_indices = @transform_1, window_bounds = array<i64: 32, 100000>}, {pipeline_mode = #tpu.pipeline_mode<synchronous>, transform_indices = @transform_2, window_bounds = array<i64: 1, 64>}, {pipeline_mode = #tpu.pipeline_mode<synchronous>, transform_indices = @transform_3, window_bounds = array<i64: 1, 64>}]} {
    %get3A = arith.constant 0 : index
    %get3A_0 = vector.load %arg1[%get3A] : memref<100352xf32, #tpu.memory_space<vmem>>, vector<100000xf32>
    %reshape3A = vector.shape_cast %get3A_0 : vector<100000xf32> to vector<1x100000xf32>
    %get3A_1 = arith.constant 0 : index
    %get3A_2 = arith.constant 0 : index
    %get3A_3 = vector.load %arg2[%get3A_1, %get3A_2] : memref<32x100000xf32, #tpu.memory_space<vmem>>, vector<32x100000xf32>
    %dot_general3A = arith.constant dense<0.000000e+00> : vector<1x32xf32>
    %dot_general3A_4 = tpu.matmul %reshape3A, %get3A_3, %dot_general3A {dimension_numbers = #tpu.dot_dimension_numbers<[1], [1], [0], [0], [0, 0, 1, 0], [], []>, transpose_lhs_hint = false} : vector<1x100000xf32>, vector<32x100000xf32>, vector<1x32xf32> -> vector<1x32xf32>
    %concatenate3A = tpu.concatenate %dot_general3A_4, %dot_general3A_4 in 1 : vector<1x32xf32>, vector<1x32xf32> -> vector<1x64xf32>
    %get3A_5 = arith.constant 0 : index
    %get3A_6 = arith.constant 0 : index
    %get3A_7 = vector.load %arg3[%get3A_5, %get3A_6] : memref<1x64xf32, #tpu.memory_space<vmem>>, vector<1x64xf32>
    %add3A = arith.addf %concatenate3A, %get3A_7 : vector<1x64xf32>
    %iota3A = tpu.iota {dimensions = array<i32: 1>} : vector<1x64xi32>
    %shift_right_arithmetic3A = arith.constant 5 : i32
    %shift_right_arithmetic3A_8 = vector.broadcast %shift_right_arithmetic3A : i32 to vector<1x64xi32>
    %shift_right_arithmetic3A_9 = arith.shrsi %iota3A, %shift_right_arithmetic3A_8 : vector<1x64xi32>
    %eq3A = vector.broadcast %arg0 : i32 to vector<1x64xi32>
    %eq3A_10 = arith.cmpi eq, %shift_right_arithmetic3A_9, %eq3A : vector<1x64xi32>
    %get3A_11 = arith.constant 0 : index
    %get3A_12 = arith.constant 0 : index
    %get3A_13 = vector.load %arg4[%get3A_11, %get3A_12] : memref<1x64xf32, #tpu.memory_space<vmem>>, vector<1x64xf32>
    %select_n3A = arith.select %eq3A_10, %add3A, %get3A_13 : vector<1x64xi1>, vector<1x64xf32>
    %swap3A = arith.constant 0 : index
    %swap3A_14 = arith.constant 0 : index
    %swap3A_15 = vector.load %arg4[%swap3A, %swap3A_14] : memref<1x64xf32, #tpu.memory_space<vmem>>, vector<1x64xf32>
    tpu.vector_store %arg4[%swap3A, %swap3A_14], %select_n3A {strides = array<i32>} : memref<1x64xf32, #tpu.memory_space<vmem>>, vector<1x64xf32>,
    return
  }
  func.func @transform_0(%arg0: i32) -> i32 {
    %c0_i32 = arith.constant 0 : i32
    %c0_i32_0 = arith.constant 0 : i32
    return %c0_i32 : i32
  }
  func.func @transform_1(%arg0: i32) -> (i32, i32) {
    %c0_i32 = arith.constant 0 : i32
    %c0_i32_0 = arith.constant 0 : i32
    return %arg0, %c0_i32 : i32, i32
  }
  func.func @transform_2(%arg0: i32) -> (i32, i32) {
    %c0_i32 = arith.constant 0 : i32
    %c0_i32_0 = arith.constant 0 : i32
    %c0_i32_1 = arith.constant 0 : i32
    return %c0_i32, %c0_i32_0 : i32, i32
  }
  func.func @transform_3(%arg0: i32) -> (i32, i32) {
    %c0_i32 = arith.constant 0 : i32
    %c0_i32_0 = arith.constant 0 : i32
    %c0_i32_1 = arith.constant 0 : i32
    return %c0_i32, %c0_i32_0 : i32, i32
  }
}

</mosaic_0001>

<sc_bundles>
// kernel: kernel.4.cloned.1.call-start
scs
__scs_entry_jumppad:
0x0: {  	(pc) =	sbr.rel $0x88, $3  }
0x1: {  	(tag) =	ssettag $0x0;
	lr =	simm.s32 $0x1  }
0x2: {  	[smem:$0x3F9E] =	sst lr;
	_ =	strace $0xD0000000  }
0x3: {  	_ = 	snop  }
0x4: {  	_ = 	snop  }
0x5: {  	_ = 	snop  }
0x6: {  	_ = 	snop  }
0x7: {  	_ = 	snop  }
__scs_overlays_trampoline_lowered:
0x8: {  	[smem:$0x3FAD] =	sst s0  }
0x9: {  	[smem:$0x3FAE] =	sst s1  }
0xa: {  	[smem:$0x3FAF] =	sst s2  }
0xb: {  	[smem:$0x3FB0] =	sst s3  }
0xc: {  	[smem:$0x3FB1] =	sst s4  }
0xd: {  	[smem:$0x3FB2] =	sst s5  }
0xe: {  	[smem:$0x3FB3] =	sst s6  }
0xf: {  	[smem:$0x3FB4] =	sst s7  }
0x10: {  	[smem:$0x3FB5] =	sst s8  }
0x11: {  	[smem:$0x3FB6] =	sst s9;
	s0 =	simm.s32 @!p0 $0x0  }
0x12: {  	s1 =	sld [smem:$0x3F9C];
	s0 =	simm.s32 @p0 $0x1  }
0x13: {  	[smem:$0x3FB7] =	sst s0;
	s0 =	simm.s32 @!p1 $0x0  }
0x14: {  	s2 =	sld [smem:$0x3F9B];
	s0 =	simm.s32 @p1 $0x1  }
0x15: {  	[smem:$0x3FB8] =	sst s0;
	s0 =	simm.s32 @!p2 $0x0  }
0x16: {  	s3 =	sld [smem:$0x3FDB];
	s0 =	simm.s32 @p2 $0x1  }
0x17: {  	s4 =	simm.s32 $0x1BF5;
	[smem:$0x3FBA] =	sst s0  }
0x18: {  	s0 =	sld [smem:$0x3F9D];
	_ =	swait.ge [sflag:s4], $0x0  }
0x19: {  	s7 =	sld [smem:$0x3F9E]  }
0x1a: {  	s8 =	sadd.s32 $0xFFFFE003, lr  }
0x1b: {  	s9 =	sadd.s32 $0xFFFFFEF7, lr;
	s5 =	simm.s32 $0xFFFFFFFF;
	p2 =	slt.u32 s8, $0xFFFFF086  }
0x1c: {  	p1 =	slt.u32 s9, $0xF7A;
	s5 =	simm.s32 @!p2 $0x0  }
0x1d: {  	s5 =	simm.s32 @p1 $0x1;
	p0 =	seq.s32 s7, s2  }
0x1e: {  	s7 =	smul.u32 @!p0 $0xF7A, s2;
	p2 =	seq.s32 @!p0 s5, $0x0  }
0x1f: {  	s9 =	smul.u32 $0xF7A, s1;
	s8 =	simm.s32 @!p0 $0x1BF5;
	p2 =	por !p2, p0  }
0x20: {  	[sflag:s8] =	ssyncset.s32 @!p0 $0xFFFFF086;
	s6 =	sadd.s32 @!p0 s3, s7;
	s7 =	simm.s32 @!p0 $0x108  }
0x21: {  	s3 =	sadd.s32 s3, s9;
	s6 =	sadd.s32 @!p0 $0x88, s6;
	s7 =	simm.s32 @p2 $0x1082  }
0x22: {  	[simem:s7], [sflag:s8] =	dma.local @!p0 [hbm:s6], $0xF7A  }
0x23: {  	s9 =	sor.u32 $0xD0000000, s2;
	s6 =	simm.s32 $0x108;
	_ =	swait.ge @!p0 [sflag:s8], $0x0  }
0x24: {  	s3 =	sadd.s32 $0x88, s3;
	s6 =	simm.s32 @!p1 $0x1082;
	[sflag:s4] =	ssyncset.s32 $0xFFFFF086  }
0x25: {  	[simem:s6], [sflag:s4] =	dma.local [hbm:s3], $0xF7A  }
0x26: {  	[smem:$0x3F9E] =	sst s1;
	(tag) =	ssettag s2;
	_ =	strace s9  }
0x27: {  	s1 =	sld [smem:$0x3FAE]  }
0x28: {  	s2 =	sld [smem:$0x3FAF]  }
0x29: {  	s4 =	sld [smem:$0x3FB1]  }
0x2a: {  	p0 =	seq.s32 s5, $0x0;
	s5 =	sld [smem:$0x3FB2]  }
0x2b: {  	s6 =	sld [smem:$0x3FB3]  }
0x2c: {  	s7 =	sld [smem:$0x3FB4]  }
0x2d: {  	s3 =	simm.s32 $0x108;
	s8 =	sld [smem:$0x3FB5]  }
0x2e: {  	s3 =	simm.s32 @!p0 $0x1082;
	s9 =	sld [smem:$0x3FB6]  }
0x2f: {  	lr =	sadd.s32 s0, s3;
	s0 =	sld [smem:$0x3FAD]  }
0x30: {  	s3 =	sld [smem:$0x3FB0]  }
0x31: {  	[smem:$0x3FB9] =	sst s10  }
0x32: {  	s10 =	sld [smem:$0x3FB7];
	_ =	sdelay $0x3  }
0x33: {  	p0 =	seq.s32 s10, $0x1;
	s10 =	sld [smem:$0x3FB9];
	_ =	sdelay $0x3  }
0x34: {  	[smem:$0x3FB9] =	sst s10  }
0x35: {  	s10 =	sld [smem:$0x3FB8];
	_ =	sdelay $0x3  }
0x36: {  	p1 =	seq.s32 s10, $0x1;
	s10 =	sld [smem:$0x3FB9];
	_ =	sdelay $0x3  }
0x37: {  	[smem:$0x3FB9] =	sst s10  }
0x38: {  	s10 =	sld [smem:$0x3FBA]  }
0x39: {  	_ = 	snop;
	(pc) =	sbr.ind lr, $3  }
0x3a: {  	_ = 	snop  }
0x3b: {  	_ = 	snop  }
0x3c: {  	p2 =	seq.s32 s10, $0x1;
	s10 =	sld [smem:$0x3FB9]  }
0x3d: {  	_ =	shalt  }
0x3e: {  	_ =	shalt  }
0x3f: {  	_ =	shalt  }
0x40: {  	_ =	shalt  }
0x41: {  	_ =	shalt  }
0x42: {  	_ =	shalt  }
0x43: {  	_ =	shalt  }
0x44: {  	_ =	shalt  }
0x45: {  	_ =	shalt  }
0x46: {  	_ =	shalt  }
0x47: {  	_ =	shalt  }
0x48: {  	_ =	shalt  }
0x49: {  	_ =	shalt  }
0x4a: {  	_ =	shalt  }
0x4b: {  	_ =	shalt  }
0x4c: {  	_ =	shalt  }
0x4d: {  	_ =	shalt  }
0x4e: {  	_ =	shalt  }
0x4f: {  	_ =	shalt  }
0x50: {  	_ =	shalt  }
0x51: {  	_ =	shalt  }
0x52: {  	_ =	shalt  }
0x53: {  	_ =	shalt  }
0x54: {  	_ =	shalt  }
0x55: {  	_ =	shalt  }
0x56: {  	_ =	shalt  }
0x57: {  	_ =	shalt  }
0x58: {  	_ =	shalt  }
0x59: {  	_ =	shalt  }
0x5a: {  	_ =	shalt  }
0x5b: {  	_ =	shalt  }
0x5c: {  	_ =	shalt  }
0x5d: {  	_ =	shalt  }
0x5e: {  	_ =	shalt  }
0x5f: {  	_ =	shalt  }
0x60: {  	_ =	shalt  }
0x61: {  	_ =	shalt  }
0x62: {  	_ =	shalt  }
0x63: {  	_ =	shalt  }
0x64: {  	_ =	shalt  }
0x65: {  	_ =	shalt  }
0x66: {  	_ =	shalt  }
0x67: {  	_ =	shalt  }
0x68: {  	_ =	shalt  }
0x69: {  	_ =	shalt  }
0x6a: {  	_ =	shalt  }
0x6b: {  	_ =	shalt  }
0x6c: {  	_ =	shalt  }
0x6d: {  	_ =	shalt  }
0x6e: {  	_ =	shalt  }
0x6f: {  	_ =	shalt  }
0x70: {  	_ =	shalt  }
0x71: {  	_ =	shalt  }
0x72: {  	_ =	shalt  }
0x73: {  	_ =	shalt  }
0x74: {  	_ =	shalt  }
0x75: {  	_ =	shalt  }
0x76: {  	_ =	shalt  }
0x77: {  	_ =	shalt  }
0x78: {  	_ =	shalt  }
0x79: {  	_ =	shalt  }
0x7a: {  	_ =	shalt  }
0x7b: {  	_ =	shalt  }
0x7c: {  	_ =	shalt  }
0x7d: {  	_ =	shalt  }
0x7e: {  	_ =	shalt  }
0x7f: {  	_ =	shalt  }
0x80: {  	_ =	shalt  }
0x81: {  	_ =	shalt  }
0x82: {  	_ =	shalt  }
0x83: {  	_ =	shalt  }
0x84: {  	_ =	shalt  }
0x85: {  	_ =	shalt  }
0x86: {  	_ =	shalt  }
0x87: {  	_ =	shalt  }
.Lfunc_end0:
.L_simem_size_0:
called_computation_lowered:
.L_overlay_start_0:
0x88: {  	s0 =	sld [smem:$0x3FD9]  }
0x89: {  	s1 =	sld [smem:$0x3FFE];
	_ =	sdelay $0x3  }
0x8a: {  	s0 =	sadd.s32 s1, s0  }
0x8b: {  	[smem:$0x3FC5] =	sst s0  }
0x8c: {  	_ = 	snop  }
0x8d: {  	s0 =	sld [smem:$0x3FC9];
	(tm) =	ssettm $0x1  }
0x8e: {  	s16 =	sld [smem:$0x3FFB];
	_ =	sdelay $0x3  }
0x8f: {  	_ =	strace s16  }
0x90: {  	s1 =	sld [smem:$0x3FFC];
	_ =	sdelay $0x3  }
0x91: {  	_ =	strace s1  }
0x92: {  	s1 =	sld [smem:$0x3FFD];
	_ =	sdelay $0x3  }
0x93: {  	_ =	strace s1  }
0x94: {  	_ =	strace $0x8FFFFFFF  }
0x95: {  	s17 =	sld [smem:$0x3FDB];
	_ =	sdelay $0x1  }
0x96: {  	s2 =	simm.s32 $_scs_section_size  }
0x97: {  	s3 =	simm.s32 $_size__tile_overlayer_lowered;
	s4 =	simm.s32 $_tile_overlayer_lowered  }
0x98: {  	s20 =	simm.s32 $0x1BFF;
	s19 =	sshll.u32 s4, $0x1;
	s1 =	sadd.s32 s2, s17  }
0x99: {  	s5 =	simm.s32 $0x0;
	s18 =	sshll.u32 s3, $0x1;
	s3 =	sadd.s32 s19, s1  }
0x9a: {  	[timem:s5], [sflag:s20] =	dma.local [hbm:s3], s18  }
0x9b: {  	_ =	swait.ge [sflag:s20], s18  }
0x9c: {  	s2 =	ssub.s32 $0x0, s18;
	[sflag:s20] =	ssyncset.done $0x0  }
0x9d: {  	[sflag:s20] =	ssyncadd.s32 s2;
	_ =	sdelay $0x1  }
0x9e: {  	s21 =	simm.s32 $0x1B8B  }
0x9f: {  	_ =	swait.ge [sflag:s21], $0x1  }
0xa0: {  	[sflag:s21] =	ssyncset.done $0x0  }
0xa1: {  	s23 =	simm.s32 $0x1B8E;
	s22 =	sld [smem:$0x3FFE];
	[sflag:s21] =	ssyncadd.s32 $0xFFFFFFFF  }
0xa2: {  	s24 =	simm.s32 $execute0_lowered;
	[smem:$0x3FD2] =	sst s23  }
0xa3: {  	s3 =	sshll.u32 s24, $0x1;
	_ =	strace $0x80000046;
	[dreg:$0x1] =	wrdreg $0xFFFFFFFF  }
0xa4: {  	s25 =	simm.s32 $_size_execute0_lowered;
	s1 =	sadd.s32 s1, s3;
	[dreg:$0x0] =	wrdreg $0x0  }
0xa5: {  	s3 =	sshll.u32 s25, $0x1;
	[dreg:$0x2] =	wrdreg s1  }
0xa6: {  	[dreg:$0x3] =	wrdreg s3  }
0xa7: {  	[dreg:$0x4] =	wrdreg $0xC0  }
0xa8: {  	_ =	task [dreg:s5], $0x5FFFF  }
0xa9: {  	[dreg:$0x1] =	wrdreg $0xFFFFFFFF  }
0xaa: {  	[dreg:$0x0] =	wrdreg $0x60  }
0xab: {  	[dreg:$0x2] =	wrdreg s0  }
0xac: {  	[dreg:$0x3] =	wrdreg s22  }
0xad: {  	[dreg:$0x4] =	wrdreg $0x24800  }
0xae: {  	[dreg:$0x5] =	wrdreg $0x9  }
0xaf: {  	_ =	task.clear_ibuf [dreg:s5], $0x6FFFF;
	_ =	strace $0x90000046  }
0xb0: {  	s26 =	simm.s32 $0x9;
	_ =	strace $0x80000048  }
0xb1: {  	_ =	swait.ge [sflag:s26], $0x1  }
0xb2: {  	[sflag:s26] =	ssyncadd.s32 $0xFFFFFFFF  }
0xb3: {  	_ =	strace $0x90000048  }
0xb4: {  	_ =	sfence  }
0xb5: {  	s28 =	sld [smem:$0x0];
	_ =	sdelay $0x1  }
0xb6: {  	s29 =	srdreg.scid  }
0xb7: {  	s30 =	sshll.u32 s29, $0xD;
	s31 =	sshrl.u32 s29, $0x2  }
0xb8: {  	s2 =	sand.u32 $0x4000, s30;
	s1 =	sand.u32 $0x1, s29;
	s0 =	sadd.s32 s31, s28  }
0xb9: {  	s1 =	sor.u32 s2, s1;
	s0 =	sshll.u32 s0, $0x11  }
0xba: {  	s0 =	sor.u32 s0, s1  }
0xbb: {  	s0 =	sadd.s32 $0x8F2B, s0  }
0xbc: {  	[sflag:s0] =	ssyncadd.remote.s32 $0x1  }
0xbd: {  	_ =	sfence.sel $0xFFFF  }
0xbe: {  	[dreg:$0x0] =	wrdreg $0xFFFFFFFF;
	(pc) =	sbr.abs _section_cstart, $3  }
0xbf: {  	[dreg:$0x1] =	wrdreg $0xFFFFFFFF  }
0xc0: {  	_ =	task.clear_ibuf [dreg:s5], $0x2FFFF;
	_ =	strace $0x9FFFFFFF  }
0xc1: {  	(tm) =	ssettm $0x7FFFFFFF  }
tec
execute0_lowered:
.L_overlay_start_1:
0x0: {  	(tag) =	ssettag $0x1  }
0x1: {  	s3 =	rddreg [dreg:$0x0]  }
0x2: {  	s5 =	rddreg [dreg:$0x1]  }
0x3: {  	s1 =	rddreg [dreg:$0x2]  }
0x4: {  	s0 =	rddreg [dreg:$0x3];
	s4 =	simm.s32 $0x0;
	s2 =	stileid.u32  }
0x5: {  	[smem:$0x7FF] =	sst s4;
	s6 =	sshll.u32 s2, $0x7  }
0x6: {  	s31 =	simm.s32 $0x2;
	_ =	strace $0x80000047;
	s3 =	sadd.s32 s3, s6  }
0x7: {  	[tilespmem:s4], [sflag:$0x2] =	stream.linear.gather [hbm4b:s3+s4], $0x400, $0x38;
	[tilespmem:$0x3D00] =	vst v63  }
0x8: {  	_ =	swait.ge [sflag:s31], $0x400  }
0x9: {  	[sflag:s31] =	ssyncset.done $0x0  }
0xa: {  	v0 =	vimm.f32 $0.0e+00;
	s4 =	simm.s32 $0xC20;
	[sflag:s31] =	ssyncadd.s32 $0xFFFFFC00  }
0xb: {  	[tilespmem:s4+$0xFFFFFFE0] =	vst v0  }
0xc: {  	[tilespmem:s4+$0x10] =	vst v0  }
0xd: {  	s3 =	sadd.s32 $0x800, s5;
	s5 =	simm.s32 $0x0;
	[tilespmem:s4+$0x0] =	vst v0  }
.LBB2_1:
0xe: {  	s5 =	sadd.s32 $0x4, s5  }
0xf: {  	[tilespmem:s4+$0xFFFFFFF0] =	vst v0;
	s4 =	sadd.s32 $0x40, s4;
	p0 =	slt.u32 s5, $0x184  }
.Ltmp0:
0x10: {  	[tilespmem:s4+$0xFFFFFFE0] =	vst v0;
	(pc) =	sbr.rel @p0 .LBB2_1-.Ltmp0, $3  }
0x11: {  	_ =	sdelay $0x1  }
0x12: {  	[tilespmem:s4+$0x10] =	vst v0  }
0x13: {  	[tilespmem:s4+$0x0] =	vst v0  }
0x14: {  	s5 =	smul.u32 $0x6200, s2;
	_ =	sdelay $0x1  }
0x15: {  	s5 =	sshrl.u32 s5, $0x2  }
0x16: {  	[tilespmem:s4+$0xFFFFFFF0] =	vst v0;
	s12 =	simm.s32 $0xC00;
	s13 =	simm.s32 $0x2;
	s11 =	sadd.s32 s5, s1  }
0x17: {  	[spmem:s11] =	stream.linear.scatter [tilespmem:s12], [sflag:$0x2], $0x1880, $0x38;
	[tilespmem:$0x3D00] =	vst v63  }
0x18: {  	_ =	swait.ge [sflag:s13], $0x1880  }
0x19: {  	[sflag:s13] =	ssyncset.done $0x0  }
0x1a: {  	[sflag:s13] =	ssyncadd.s32 $0xFFFFE780  }
0x1b: {  	v1 =	vld [tilespmem:$0x0];
	_ =	sdelay $0x1  }
0x1c: {  	v2 =	vld [tilespmem:$0x10];
	_ =	sdelay $0x1  }
0x1d: {  	v3 =	vld [tilespmem:$0x20]  }
0x1e: {  	(xrf1) =	vunique.msk.u32 $0xffff, v1  }
0x1f: {  	v4 =	vld [tilespmem:$0x30]  }
0x20: {  	(xrf1) =	vunique.msk.u32 $0xffff, v2  }
0x21: {  	v5 =	vld [tilespmem:$0x40]  }
0x22: {  	(xrf1) =	vunique.msk.u32 $0xffff, v3  }
0x23: {  	v6 =	vld [tilespmem:$0x50]  }
0x24: {  	(xrf1) =	vunique.msk.u32 $0xffff, v4  }
0x25: {  	v7 =	vld [tilespmem:$0x60]  }
0x26: {  	(xrf1) =	vunique.msk.u32 $0xffff, v5  }
0x27: {  	v8 =	vld [tilespmem:$0x70]  }
0x28: {  	(xrf1) =	vunique.msk.u32 $0xffff, v6  }
0x29: {  	v9 =	vld [tilespmem:$0x80]  }
0x2a: {  	(xrf1) =	vunique.msk.u32 $0xffff, v7  }
0x2b: {  	v11 =	vlaneseq.u32;
	v10 =	vld [tilespmem:$0x90]  }
0x2c: {  	v0 =	vor.u32 $0x186A0, v11;
	_, v26, vm0 =	vpop (xrf1);
	(xrf1) =	vunique.msk.u32 $0xffff, v8  }
0x2d: {  	v13 =	vld [tilespmem:$0xA0];
	v12 =	vcvt.s32.f32 v26;
	v1 =	vsel vm0, v1, v0  }
0x2e: {  	_, v27, vm1 =	vpop (xrf1);
	(xrf1) =	vunique.msk.u32 $0xffff, v9;
	[tilespmem:$0x800] =	vst v1  }
0x2f: {  	v28 =	vld [tilespmem:$0xB0];
	v11 =	vcvt.s32.f32 v27;
	v2 =	vsel vm1, v2, v0;
	[tilespmem:$0x400] =	vst v12  }
0x30: {  	_, v29, vm0 =	vpop (xrf1);
	(xrf1) =	vunique.msk.u32 $0xffff, v10;
	[tilespmem:$0x810] =	vst v2  }
0x31: {  	v30 =	vld [tilespmem:$0xC0];
	v1 =	vcvt.s32.f32 v29;
	v3 =	vsel vm0, v3, v0;
	[tilespmem:$0x410] =	vst v11  }
0x32: {  	_, v31, vm1 =	vpop (xrf1);
	(xrf1) =	vunique.msk.u32 $0xffff, v13;
	[tilespmem:$0x820] =	vst v3  }
0x33: {  	v33 =	vld [tilespmem:$0xD0];
	v32 =	vcvt.s32.f32 v31;
	v4 =	vsel vm1, v4, v0;
	[tilespmem:$0x420] =	vst v1  }
0x34: {  	_, v34, vm0 =	vpop (xrf1);
	(xrf1) =	vunique.msk.u32 $0xffff, v28;
	[tilespmem:$0x830] =	vst v4  }
0x35: {  	v36 =	vld [tilespmem:$0xE0];
	v35 =	vcvt.s32.f32 v34;
	v5 =	vsel vm0, v5, v0;
	[tilespmem:$0x430] =	vst v32  }
0x36: {  	_, v37, vm1 =	vpop (xrf1);
	(xrf1) =	vunique.msk.u32 $0xffff, v30;
	[tilespmem:$0x840] =	vst v5  }
0x37: {  	v39 =	vld [tilespmem:$0xF0];
	v38 =	vcvt.s32.f32 v37;
	v6 =	vsel vm1, v6, v0;
	[tilespmem:$0x440] =	vst v35  }
0x38: {  	_, v40, vm0 =	vpop (xrf1);
	(xrf1) =	vunique.msk.u32 $0xffff, v33;
	[tilespmem:$0x850] =	vst v6  }
0x39: {  	v42 =	vld [tilespmem:$0x100];
	v41 =	vcvt.s32.f32 v40;
	v7 =	vsel vm0, v7, v0;
	[tilespmem:$0x450] =	vst v38  }
0x3a: {  	[tilespmem:$0x860] =	vst v7;
	_, v43, vm1 =	vpop (xrf1);
	(xrf1) =	vunique.msk.u32 $0xffff, v36  }
0x3b: {  	v45 =	vld [tilespmem:$0x110];
	[tilespmem:$0x460] =	vst v41;
	v44 =	vcvt.s32.f32 v43;
	v8 =	vsel vm1, v8, v0  }
0x3c: {  	_, v46, vm0 =	vpop (xrf1);
	(xrf1) =	vunique.msk.u32 $0xffff, v39;
	[tilespmem:$0x870] =	vst v8  }
0x3d: {  	v48 =	vld [tilespmem:$0x120];
	v47 =	vcvt.s32.f32 v46;
	v9 =	vsel vm0, v9, v0;
	[tilespmem:$0x470] =	vst v44  }
0x3e: {  	_, v49, vm1 =	vpop (xrf1);
	(xrf1) =	vunique.msk.u32 $0xffff, v42;
	[tilespmem:$0x880] =	vst v9  }
0x3f: {  	v51 =	vld [tilespmem:$0x130];
	v50 =	vcvt.s32.f32 v49;
	v10 =	vsel vm1, v10, v0;
	[tilespmem:$0x480] =	vst v47  }
0x40: {  	_, v52, vm0 =	vpop (xrf1);
	(xrf1) =	vunique.msk.u32 $0xffff, v45;
	[tilespmem:$0x890] =	vst v10  }
0x41: {  	v54 =	vld [tilespmem:$0x140];
	v53 =	vcvt.s32.f32 v52;
	v13 =	vsel vm0, v13, v0;
	[tilespmem:$0x490] =	vst v50  }
0x42: {  	_, v55, vm1 =	vpop (xrf1);
	(xrf1) =	vunique.msk.u32 $0xffff, v48;
	[tilespmem:$0x8A0] =	vst v13  }
0x43: {  	v57 =	vld [tilespmem:$0x150];
	v56 =	vcvt.s32.f32 v55;
	v12 =	vsel vm1, v28, v0;
	[tilespmem:$0x4A0] =	vst v53  }
0x44: {  	_, v58, vm0 =	vpop (xrf1);
	(xrf1) =	vunique.msk.u32 $0xffff, v51;
	[tilespmem:$0x8B0] =	vst v12  }
0x45: {  	v60 =	vld [tilespmem:$0x160];
	v59 =	vcvt.s32.f32 v58;
	v11 =	vsel vm0, v30, v0;
	[tilespmem:$0x4B0] =	vst v56  }
0x46: {  	_, v61, vm1 =	vpop (xrf1);
	(xrf1) =	vunique.msk.u32 $0xffff, v54;
	[tilespmem:$0x8C0] =	vst v11  }
0x47: {  	v63 =	vld [tilespmem:$0x170];
	v62 =	vcvt.s32.f32 v61;
	v2 =	vsel vm1, v33, v0;
	[tilespmem:$0x4C0] =	vst v59  }
0x48: {  	[tilespmem:$0x8D0] =	vst v2;
	_, v16, vm0 =	vpop (xrf1);
	(xrf1) =	vunique.msk.u32 $0xffff, v57  }
0x49: {  	v18 =	vld [tilespmem:$0x180];
	[tilespmem:$0x4D0] =	vst v62;
	v17 =	vcvt.s32.f32 v16;
	v3 =	vsel vm0, v36, v0  }
0x4a: {  	_, v19, vm1 =	vpop (xrf1);
	(xrf1) =	vunique.msk.u32 $0xffff, v60;
	[tilespmem:$0x8E0] =	vst v3  }
0x4b: {  	v21 =	vld [tilespmem:$0x190];
	v20 =	vcvt.s32.f32 v19;
	v4 =	vsel vm1, v39, v0;
	[tilespmem:$0x4E0] =	vst v17  }
0x4c: {  	_, v22, vm0 =	vpop (xrf1);
	(xrf1) =	vunique.msk.u32 $0xffff, v63;
	[tilespmem:$0x8F0] =	vst v4  }
0x4d: {  	v24 =	vld [tilespmem:$0x1A0];
	v23 =	vcvt.s32.f32 v22;
	v5 =	vsel vm0, v42, v0;
	[tilespmem:$0x4F0] =	vst v20  }
0x4e: {  	_, v25, vm1 =	vpop (xrf1);
	(xrf1) =	vunique.msk.u32 $0xffff, v18;
	[tilespmem:$0x900] =	vst v5  }
0x4f: {  	v27 =	vld [tilespmem:$0x1B0];
	v26 =	vcvt.s32.f32 v25;
	v6 =	vsel vm1, v45, v0;
	[tilespmem:$0x500] =	vst v23  }
0x50: {  	_, v28, vm0 =	vpop (xrf1);
	(xrf1) =	vunique.msk.u32 $0xffff, v21;
	[tilespmem:$0x910] =	vst v6  }
0x51: {  	v30 =	vld [tilespmem:$0x1C0];
	v29 =	vcvt.s32.f32 v28;
	v7 =	vsel vm0, v48, v0;
	[tilespmem:$0x510] =	vst v26  }
0x52: {  	_, v31, vm1 =	vpop (xrf1);
	(xrf1) =	vunique.msk.u32 $0xffff, v24;
	[tilespmem:$0x920] =	vst v7  }
0x53: {  	v33 =	vld [tilespmem:$0x1D0];
	v32 =	vcvt.s32.f32 v31;
	v8 =	vsel vm1, v51, v0;
	[tilespmem:$0x520] =	vst v29  }
0x54: {  	_, v34, vm0 =	vpop (xrf1);
	(xrf1) =	vunique.msk.u32 $0xffff, v27;
	[tilespmem:$0x930] =	vst v8  }
0x55: {  	v36 =	vld [tilespmem:$0x1E0];
	v35 =	vcvt.s32.f32 v34;
	v9 =	vsel vm0, v54, v0;
	[tilespmem:$0x530] =	vst v32  }
0x56: {  	[tilespmem:$0x940] =	vst v9;
	_, v37, vm1 =	vpop (xrf1);
	(xrf1) =	vunique.msk.u32 $0xffff, v30  }
0x57: {  	v39 =	vld [tilespmem:$0x1F0];
	[tilespmem:$0x540] =	vst v35;
	v38 =	vcvt.s32.f32 v37;
	v10 =	vsel vm1, v57, v0  }
0x58: {  	_, v40, vm0 =	vpop (xrf1);
	(xrf1) =	vunique.msk.u32 $0xffff, v33;
	[tilespmem:$0x950] =	vst v10  }
0x59: {  	v42 =	vld [tilespmem:$0x200];
	v41 =	vcvt.s32.f32 v40;
	v13 =	vsel vm0, v60, v0;
	[tilespmem:$0x550] =	vst v38  }
0x5a: {  	_, v43, vm1 =	vpop (xrf1);
	(xrf1) =	vunique.msk.u32 $0xffff, v36;
	[tilespmem:$0x960] =	vst v13  }
0x5b: {  	v45 =	vld [tilespmem:$0x210];
	v44 =	vcvt.s32.f32 v43;
	v12 =	vsel vm1, v63, v0;
	[tilespmem:$0x560] =	vst v41  }
0x5c: {  	_, v46, vm0 =	vpop (xrf1);
	(xrf1) =	vunique.msk.u32 $0xffff, v39;
	[tilespmem:$0x970] =	vst v12  }
0x5d: {  	v48 =	vld [tilespmem:$0x220];
	v47 =	vcvt.s32.f32 v46;
	v11 =	vsel vm0, v18, v0;
	[tilespmem:$0x570] =	vst v44  }
0x5e: {  	_, v49, vm1 =	vpop (xrf1);
	(xrf1) =	vunique.msk.u32 $0xffff, v42;
	[tilespmem:$0x980] =	vst v11  }
0x5f: {  	v51 =	vld [tilespmem:$0x230];
	v50 =	vcvt.s32.f32 v49;
	v2 =	vsel vm1, v21, v0;
	[tilespmem:$0x580] =	vst v47  }
0x60: {  	_, v52, vm0 =	vpop (xrf1);
	(xrf1) =	vunique.msk.u32 $0xffff, v45;
	[tilespmem:$0x990] =	vst v2  }
0x61: {  	v54 =	vld [tilespmem:$0x240];
	v53 =	vcvt.s32.f32 v52;
	v3 =	vsel vm0, v24, v0;
	[tilespmem:$0x590] =	vst v50  }
0x62: {  	_, v55, vm1 =	vpop (xrf1);
	(xrf1) =	vunique.msk.u32 $0xffff, v48;
	[tilespmem:$0x9A0] =	vst v3  }
0x63: {  	v57 =	vld [tilespmem:$0x250];
	v56 =	vcvt.s32.f32 v55;
	v4 =	vsel vm1, v27, v0;
	[tilespmem:$0x5A0] =	vst v53  }
0x64: {  	[tilespmem:$0x9B0] =	vst v4;
	_, v58, vm0 =	vpop (xrf1);
	(xrf1) =	vunique.msk.u32 $0xffff, v51  }
0x65: {  	v60 =	vld [tilespmem:$0x260];
	[tilespmem:$0x5B0] =	vst v56;
	v59 =	vcvt.s32.f32 v58;
	v5 =	vsel vm0, v30, v0  }
0x66: {  	_, v61, vm1 =	vpop (xrf1);
	(xrf1) =	vunique.msk.u32 $0xffff, v54;
	[tilespmem:$0x9C0] =	vst v5  }
0x67: {  	v63 =	vld [tilespmem:$0x270];
	v62 =	vcvt.s32.f32 v61;
	v6 =	vsel vm1, v33, v0;
	[tilespmem:$0x5C0] =	vst v59  }
0x68: {  	_, v14, vm0 =	vpop (xrf1);
	(xrf1) =	vunique.msk.u32 $0xffff, v57;
	[tilespmem:$0x9D0] =	vst v6  }
0x69: {  	v16 =	vld [tilespmem:$0x280];
	v15 =	vcvt.s32.f32 v14;
	v7 =	vsel vm0, v36, v0;
	[tilespmem:$0x5D0] =	vst v62  }
0x6a: {  	_, v17, vm1 =	vpop (xrf1);
	(xrf1) =	vunique.msk.u32 $0xffff, v60;
	[tilespmem:$0x9E0] =	vst v7  }
0x6b: {  	v19 =	vld [tilespmem:$0x290];
	v18 =	vcvt.s32.f32 v17;
	v8 =	vsel vm1, v39, v0;
	[tilespmem:$0x5E0] =	vst v15  }
0x6c: {  	_, v20, vm0 =	vpop (xrf1);
	(xrf1) =	vunique.msk.u32 $0xffff, v63;
	[tilespmem:$0x9F0] =	vst v8  }
0x6d: {  	v22 =	vld [tilespmem:$0x2A0];
	v21 =	vcvt.s32.f32 v20;
	v9 =	vsel vm0, v42, v0;
	[tilespmem:$0x5F0] =	vst v18  }
0x6e: {  	_, v23, vm1 =	vpop (xrf1);
	(xrf1) =	vunique.msk.u32 $0xffff, v16;
	[tilespmem:$0xA00] =	vst v9  }
0x6f: {  	v25 =	vld [tilespmem:$0x2B0];
	v24 =	vcvt.s32.f32 v23;
	v10 =	vsel vm1, v45, v0;
	[tilespmem:$0x600] =	vst v21  }
0x70: {  	_, v26, vm0 =	vpop (xrf1);
	(xrf1) =	vunique.msk.u32 $0xffff, v19;
	[tilespmem:$0xA10] =	vst v10  }
0x71: {  	v28 =	vld [tilespmem:$0x2C0];
	v27 =	vcvt.s32.f32 v26;
	v13 =	vsel vm0, v48, v0;
	[tilespmem:$0x610] =	vst v24  }
0x72: {  	[tilespmem:$0xA20] =	vst v13;
	_, v29, vm1 =	vpop (xrf1);
	(xrf1) =	vunique.msk.u32 $0xffff, v22  }
0x73: {  	v31 =	vld [tilespmem:$0x2D0];
	[tilespmem:$0x620] =	vst v27;
	v30 =	vcvt.s32.f32 v29;
	v12 =	vsel vm1, v51, v0  }
0x74: {  	_, v32, vm0 =	vpop (xrf1);
	(xrf1) =	vunique.msk.u32 $0xffff, v25;
	[tilespmem:$0xA30] =	vst v12  }
0x75: {  	v34 =	vld [tilespmem:$0x2E0];
	v33 =	vcvt.s32.f32 v32;
	v11 =	vsel vm0, v54, v0;
	[tilespmem:$0x630] =	vst v30  }
0x76: {  	_, v35, vm1 =	vpop (xrf1);
	(xrf1) =	vunique.msk.u32 $0xffff, v28;
	[tilespmem:$0xA40] =	vst v11  }
0x77: {  	v37 =	vld [tilespmem:$0x2F0];
	v36 =	vcvt.s32.f32 v35;
	v2 =	vsel vm1, v57, v0;
	[tilespmem:$0x640] =	vst v33  }
0x78: {  	_, v38, vm0 =	vpop (xrf1);
	(xrf1) =	vunique.msk.u32 $0xffff, v31;
	[tilespmem:$0xA50] =	vst v2  }
0x79: {  	v40 =	vld [tilespmem:$0x300];
	v39 =	vcvt.s32.f32 v38;
	v3 =	vsel vm0, v60, v0;
	[tilespmem:$0x650] =	vst v36  }
0x7a: {  	_, v41, vm1 =	vpop (xrf1);
	(xrf1) =	vunique.msk.u32 $0xffff, v34;
	[tilespmem:$0xA60] =	vst v3  }
0x7b: {  	v43 =	vld [tilespmem:$0x310];
	v42 =	vcvt.s32.f32 v41;
	v4 =	vsel vm1, v63, v0;
	[tilespmem:$0x660] =	vst v39  }
0x7c: {  	_, v44, vm0 =	vpop (xrf1);
	(xrf1) =	vunique.msk.u32 $0xffff, v37;
	[tilespmem:$0xA70] =	vst v4  }
0x7d: {  	v46 =	vld [tilespmem:$0x320];
	v45 =	vcvt.s32.f32 v44;
	v5 =	vsel vm0, v16, v0;
	[tilespmem:$0x670] =	vst v42  }
0x7e: {  	_, v47, vm1 =	vpop (xrf1);
	(xrf1) =	vunique.msk.u32 $0xffff, v40;
	[tilespmem:$0xA80] =	vst v5  }
0x7f: {  	v49 =	vld [tilespmem:$0x330];
	v48 =	vcvt.s32.f32 v47;
	v6 =	vsel vm1, v19, v0;
	[tilespmem:$0x680] =	vst v45  }
0x80: {  	[tilespmem:$0xA90] =	vst v6;
	_, v50, vm0 =	vpop (xrf1);
	(xrf1) =	vunique.msk.u32 $0xffff, v43  }
0x81: {  	v52 =	vld [tilespmem:$0x340];
	[tilespmem:$0x690] =	vst v48;
	v51 =	vcvt.s32.f32 v50;
	v7 =	vsel vm0, v22, v0  }
0x82: {  	_, v53, vm1 =	vpop (xrf1);
	(xrf1) =	vunique.msk.u32 $0xffff, v46;
	[tilespmem:$0xAA0] =	vst v7  }
0x83: {  	v55 =	vld [tilespmem:$0x350];
	v54 =	vcvt.s32.f32 v53;
	v8 =	vsel vm1, v25, v0;
	[tilespmem:$0x6A0] =	vst v51  }
0x84: {  	_, v56, vm0 =	vpop (xrf1);
	(xrf1) =	vunique.msk.u32 $0xffff, v49;
	[tilespmem:$0xAB0] =	vst v8  }
0x85: {  	v58 =	vld [tilespmem:$0x360];
	v57 =	vcvt.s32.f32 v56;
	v9 =	vsel vm0, v28, v0;
	[tilespmem:$0x6B0] =	vst v54  }
0x86: {  	_, v59, vm1 =	vpop (xrf1);
	(xrf1) =	vunique.msk.u32 $0xffff, v52;
	[tilespmem:$0xAC0] =	vst v9  }
0x87: {  	v61 =	vld [tilespmem:$0x370];
	v60 =	vcvt.s32.f32 v59;
	v10 =	vsel vm1, v31, v0;
	[tilespmem:$0x6C0] =	vst v57  }
0x88: {  	_, v62, vm0 =	vpop (xrf1);
	(xrf1) =	vunique.msk.u32 $0xffff, v55;
	[tilespmem:$0xAD0] =	vst v10  }
0x89: {  	v16 =	vld [tilespmem:$0x380];
	v63 =	vcvt.s32.f32 v62;
	v13 =	vsel vm0, v34, v0;
	[tilespmem:$0x6D0] =	vst v60  }
0x8a: {  	_, v17, vm1 =	vpop (xrf1);
	(xrf1) =	vunique.msk.u32 $0xffff, v58;
	[tilespmem:$0xAE0] =	vst v13  }
0x8b: {  	v19 =	vld [tilespmem:$0x390];
	v18 =	vcvt.s32.f32 v17;
	v12 =	vsel vm1, v37, v0;
	[tilespmem:$0x6E0] =	vst v63  }
0x8c: {  	_, v20, vm0 =	vpop (xrf1);
	(xrf1) =	vunique.msk.u32 $0xffff, v61;
	[tilespmem:$0xAF0] =	vst v12  }
0x8d: {  	v22 =	vld [tilespmem:$0x3A0];
	v21 =	vcvt.s32.f32 v20;
	v11 =	vsel vm0, v40, v0;
	[tilespmem:$0x6F0] =	vst v18  }
0x8e: {  	[tilespmem:$0xB00] =	vst v11;
	_, v23, vm1 =	vpop (xrf1);
	(xrf1) =	vunique.msk.u32 $0xffff, v16  }
0x8f: {  	v25 =	vld [tilespmem:$0x3B0];
	[tilespmem:$0x700] =	vst v21;
	v24 =	vcvt.s32.f32 v23;
	v2 =	vsel vm1, v43, v0  }
0x90: {  	_, v26, vm0 =	vpop (xrf1);
	(xrf1) =	vunique.msk.u32 $0xffff, v19;
	[tilespmem:$0xB10] =	vst v2  }
0x91: {  	v28 =	vld [tilespmem:$0x3C0];
	v27 =	vcvt.s32.f32 v26;
	v3 =	vsel vm0, v46, v0;
	[tilespmem:$0x710] =	vst v24  }
0x92: {  	_, v29, vm1 =	vpop (xrf1);
	(xrf1) =	vunique.msk.u32 $0xffff, v22;
	[tilespmem:$0xB20] =	vst v3  }
0x93: {  	v31 =	vld [tilespmem:$0x3D0];
	v30 =	vcvt.s32.f32 v29;
	v4 =	vsel vm1, v49, v0;
	[tilespmem:$0x720] =	vst v27  }
0x94: {  	_, v32, vm0 =	vpop (xrf1);
	(xrf1) =	vunique.msk.u32 $0xffff, v25;
	[tilespmem:$0xB30] =	vst v4  }
0x95: {  	v34 =	vld [tilespmem:$0x3E0];
	v33 =	vcvt.s32.f32 v32;
	v5 =	vsel vm0, v52, v0;
	[tilespmem:$0x730] =	vst v30  }
0x96: {  	_, v35, vm1 =	vpop (xrf1);
	(xrf1) =	vunique.msk.u32 $0xffff, v28;
	[tilespmem:$0xB40] =	vst v5  }
0x97: {  	v37 =	vld [tilespmem:$0x3F0];
	v36 =	vcvt.s32.f32 v35;
	v39 =	vsel vm1, v55, v0;
	[tilespmem:$0x740] =	vst v33  }
0x98: {  	_, v38, vm0 =	vpop (xrf1);
	(xrf1) =	vunique.msk.u32 $0xffff, v31;
	[tilespmem:$0xB50] =	vst v39  }
0x99: {  	v5 =	vcvt.s32.f32 v38;
	v41 =	vsel vm0, v58, v0;
	[tilespmem:$0x750] =	vst v36  }
0x9a: {  	_, v40, vm1 =	vpop (xrf1);
	(xrf1) =	vunique.msk.u32 $0xffff, v34;
	[tilespmem:$0xB60] =	vst v41  }
0x9b: {  	v1 =	vcvt.s32.f32 v40;
	v43 =	vsel vm1, v61, v0;
	[tilespmem:$0x760] =	vst v5  }
0x9c: {  	[tilespmem:$0xB70] =	vst v43;
	_, v42, vm0 =	vpop (xrf1);
	(xrf1) =	vunique.msk.u32 $0xffff, v37  }
0x9d: {  	[tilespmem:$0x770] =	vst v1;
	v44 =	vcvt.s32.f32 v42;
	v46 =	vsel vm0, v16, v0  }
0x9e: {  	_, v45, vm10 =	vpop (xrf1);
	[tilespmem:$0xB80] =	vst v46  }
0x9f: {  	v47 =	vcvt.s32.f32 v45;
	v49 =	vsel vm10, v19, v0;
	[tilespmem:$0x780] =	vst v44  }
0xa0: {  	_, v48, vm11 =	vpop (xrf1);
	[tilespmem:$0xB90] =	vst v49  }
0xa1: {  	v50 =	vcvt.s32.f32 v48;
	v52 =	vsel vm11, v22, v0;
	[tilespmem:$0x790] =	vst v47  }
0xa2: {  	_, v51, vm12 =	vpop (xrf1);
	[tilespmem:$0xBA0] =	vst v52  }
0xa3: {  	v53 =	vcvt.s32.f32 v51;
	v55 =	vsel vm12, v25, v0;
	[tilespmem:$0x7A0] =	vst v50  }
0xa4: {  	_, v54, vm13 =	vpop (xrf1);
	[tilespmem:$0xBB0] =	vst v55  }
0xa5: {  	v56 =	vcvt.s32.f32 v54;
	v58 =	vsel vm13, v28, v0;
	[tilespmem:$0x7B0] =	vst v53  }
0xa6: {  	_, v57, vm14 =	vpop (xrf1);
	[tilespmem:$0xBC0] =	vst v58  }
0xa7: {  	v59 =	vcvt.s32.f32 v57;
	v61 =	vsel vm14, v31, v0;
	[tilespmem:$0x7C0] =	vst v56  }
0xa8: {  	_, v60, vm15 =	vpop (xrf1);
	[tilespmem:$0xBD0] =	vst v61  }
0xa9: {  	v62 =	vcvt.s32.f32 v60;
	v3 =	vsel vm15, v34, v0;
	[tilespmem:$0x7D0] =	vst v59  }
0xaa: {  	[tilespmem:$0xBE0] =	vst v3;
	_, v63, vm1 =	vpop (xrf1)  }
0xab: {  	[tilespmem:$0x7E0] =	vst v62;
	v1 =	vcvt.s32.f32 v63;
	v0 =	vsel vm1, v37, v0  }
0xac: {  	[tilespmem:$0xBF0] =	vst v0  }
0xad: {  	s14 =	simm.s32 $0x80;
	[tilespmem:$0x7F0] =	vst v1  }
0xae: {  	s15 =	simm.s32 $0x800;
	s6 =	simm.s32 $0x400;
	[bflag:$0x0] =	sbarrier.arrive $0xFFFF  }
0xaf: {  	[spmem:s1] =	stream.indirect.scatter.add.f32 [tilespmem:s6], [sflag:$0x1], $0x1, s15, s14, $0xb8;
	[tilespmem:$0x3D00] =	vst v63  }
0xb0: {  	s16 =	simm.s32 $0x880;
	s17 =	simm.s32 $0x480  }
0xb1: {  	[spmem:s1] =	stream.indirect.scatter.add.f32 [tilespmem:s17], [sflag:$0x1], $0x1, s16, s14, $0xb8;
	[tilespmem:$0x3D00] =	vst v63  }
0xb2: {  	s18 =	simm.s32 $0x900;
	s19 =	simm.s32 $0x500  }
0xb3: {  	[spmem:s1] =	stream.indirect.scatter.add.f32 [tilespmem:s19], [sflag:$0x1], $0x1, s18, s14, $0xb8;
	[tilespmem:$0x3D00] =	vst v63  }
0xb4: {  	s20 =	simm.s32 $0x980;
	s21 =	simm.s32 $0x580  }
0xb5: {  	[spmem:s1] =	stream.indirect.scatter.add.f32 [tilespmem:s21], [sflag:$0x1], $0x1, s20, s14, $0xb8;
	[tilespmem:$0x3D00] =	vst v63  }
0xb6: {  	s22 =	simm.s32 $0xA00;
	s23 =	simm.s32 $0x600  }
0xb7: {  	[spmem:s1] =	stream.indirect.scatter.add.f32 [tilespmem:s23], [sflag:$0x1], $0x1, s22, s14, $0xb8;
	[tilespmem:$0x3D00] =	vst v63  }
0xb8: {  	s24 =	simm.s32 $0xA80;
	s25 =	simm.s32 $0x680  }
0xb9: {  	[spmem:s1] =	stream.indirect.scatter.add.f32 [tilespmem:s25], [sflag:$0x1], $0x1, s24, s14, $0xb8;
	[tilespmem:$0x3D00] =	vst v63  }
0xba: {  	s26 =	simm.s32 $0xB00;
	s28 =	simm.s32 $0x700  }
0xbb: {  	[spmem:s1] =	stream.indirect.scatter.add.f32 [tilespmem:s28], [sflag:$0x1], $0x1, s26, s14, $0xb8;
	[tilespmem:$0x3D00] =	vst v63  }
0xbc: {  	s29 =	simm.s32 $0xB80;
	s30 =	simm.s32 $0x780;
	s31 =	simm.s32 $0x1  }
0xbd: {  	[spmem:s1] =	stream.indirect.scatter.add.f32 [tilespmem:s30], [sflag:$0x1], $0x1, s29, s14, $0xb8;
	[tilespmem:$0x3D00] =	vst v63  }
0xbe: {  	_ =	swait.ge [sflag:s31], $0x80  }
0xbf: {  	[sflag:s31] =	ssyncset.done $0x0  }
0xc0: {  	[sflag:s31] =	ssyncadd.s32 $0xFFFFFF80  }
0xc1: {  	_ =	swait.ge [sflag:s31], $0x80  }
0xc2: {  	[sflag:s31] =	ssyncset.done $0x0  }
0xc3: {  	[sflag:s31] =	ssyncadd.s32 $0xFFFFFF80  }
0xc4: {  	_ =	swait.ge [sflag:s31], $0x80  }
0xc5: {  	[sflag:s31] =	ssyncset.done $0x0  }
0xc6: {  	[sflag:s31] =	ssyncadd.s32 $0xFFFFFF80  }
0xc7: {  	_ =	swait.ge [sflag:s31], $0x80  }
0xc8: {  	[sflag:s31] =	ssyncset.done $0x0  }
0xc9: {  	[sflag:s31] =	ssyncadd.s32 $0xFFFFFF80  }
0xca: {  	_ =	swait.ge [sflag:s31], $0x80  }
0xcb: {  	[sflag:s31] =	ssyncset.done $0x0  }
0xcc: {  	[sflag:s31] =	ssyncadd.s32 $0xFFFFFF80  }
0xcd: {  	_ =	swait.ge [sflag:s31], $0x80  }
0xce: {  	[sflag:s31] =	ssyncset.done $0x0  }
0xcf: {  	[sflag:s31] =	ssyncadd.s32 $0xFFFFFF80  }
0xd0: {  	_ =	swait.ge [sflag:s31], $0x80  }
0xd1: {  	[sflag:s31] =	ssyncset.done $0x0  }
0xd2: {  	[sflag:s31] =	ssyncadd.s32 $0xFFFFFF80  }
0xd3: {  	_ =	swait.ge [sflag:s31], $0x80  }
0xd4: {  	[sflag:s31] =	ssyncset.done $0x0  }
0xd5: {  	[sflag:s31] =	ssyncadd.s32 $0xFFFFFF80  }
0xd6: {  	p0 =	sne.s32 s2, $0x0;
	[bflag:$0x0] =	sbarrier.arrive $0xFFFF  }
0xd7: {  	_ =	sfence.sel @p0 $0x180000  }
0xd8: {  	[bflag:$0x0] =	sbarrier.arrive @p0 $0xFFFF  }
0xd9: {  	_ =	strace @p0 $0x90000047  }
0xda: {  	s2 =	simm.s32 @!p0 $0x1C02;
	s1 =	sshrl.u32 @!p0 s1, $0x3;
	[bflag:$0x2] =	sbarrier.arrive @p0 $0xFFFF  }
0xdb: {  	[hbm:s3], [sflag:s2] =	dma.local @!p0 [spmem:s1], $0x3100  }
0xdc: {  	s1 =	simm.s32 @!p0 $0x2  }
0xdd: {  	_ =	swait.ge @!p0 [sflag:s1], $0x3100  }
0xde: {  	[sflag:s1] =	ssyncset.done @!p0 $0x0  }
0xdf: {  	[sflag:s1] =	ssyncadd.s32 @!p0 $0xFFFFCF00  }
0xe0: {  	_ =	sfence.sel @!p0 $0x180000  }
0xe1: {  	[bflag:$0x0] =	sbarrier.arrive @!p0 $0xFFFF  }
0xe2: {  	_ =	strace @!p0 $0x90000047  }
0xe3: {  	s0 =	sadd.s32 @!p0 $0x100000, s0;
	[bflag:$0x2] =	sbarrier.arrive @!p0 $0xFFFF  }
0xe4: {  	[sflag:s0] =	ssyncadd.tile.s32 @!p0 $0x1;
	_ =	shalt  }
.Lfunc_end2:
_tile_overlayer_lowered:
.L_overlay_start_2:
0xe5: {  	(tag) =	ssettag $0x2  }
0xe6: {  	s0 =	rddreg [dreg:$0x0];
	s2 =	stileid.u32  }
0xe7: {  	s1 =	rddreg [dreg:$0x1];
	p0 =	sne.s32 s2, $0x0  }
0xe8: {  	s3 =	rddreg [dreg:$0x2];
	[bflag:$0x3] =	sbarrier.arrive $0xFFFF;
	s2 =	simm.s32 @!p0 $0x1C02  }
0xe9: {  	[timem:s3], [sflag:s2] =	dma.local @!p0 [hbm:s0], s1  }
0xea: {  	s0 =	simm.s32 @!p0 $0x2  }
0xeb: {  	_ =	swait.ge @!p0 [sflag:s0], s1  }
0xec: {  	s1 =	ssub.s32 @!p0 $0x0, s1;
	[sflag:s0] =	ssyncset.done @!p0 $0x0  }
0xed: {  	[sflag:s0] =	ssyncadd.s32 @!p0 s1  }
0xee: {  	[bflag:$0x3] =	sbarrier.arrive $0xFFFF  }
0xef: {  	_ =	shalt  }

</sc_bundles>
